<compile_context>
chip_gen: v7x
topology: tpu7x:2x2x1
jax: 0.10.2.dev20260603
libtpu: 0.0.44.dev20260713+nightly
codegen_flags: <defaults>
</compile_context>

<pallas_src>
import functools

import jax
import jax.numpy as jnp
from jax import lax
from jax.experimental import pallas as pl
from jax.experimental.pallas import tpu as pltpu
from jax.experimental.pallas import tpu_sc as plsc

_B = 128
_N = 32768
_NC = 2
_NS = 16
_L = 16
_ACC = 4

_SC_ROWS = 64
_TC_ROWS = _B - _SC_ROWS
_RPW = _SC_ROWS // (_NC * _NS)
_CHUNKS = _N // _L
_GROUPS = _CHUNKS // _ACC

_BR = 8
_INT_MAX = 2**31 - 1


def _argmax_sc_body(scores_hbm, out_hbm, buf, res_v, pack_v, out_v,
                    shared, sem0, sem1):
    cid = lax.axis_index("c")
    sid = lax.axis_index("s")
    lane = lax.iota(jnp.int32, _L)
    row0 = _TC_ROWS + cid * (_NS * _RPW) + sid * _RPW

    pltpu.make_async_copy(
        scores_hbm.at[row0], buf.at[pl.ds(0, _N)], sem0
    ).start()
    pltpu.make_async_copy(
        scores_hbm.at[row0 + 1], buf.at[pl.ds(_N, _N)], sem1
    ).start()

    def row_body(r, res):
        off = (r & 1) * _N

        @pl.when((r & 1) == 0)
        def _():
            pltpu.make_async_copy(
                scores_hbm.at[row0], buf.at[pl.ds(0, _N)], sem0
            ).wait()

        @pl.when((r & 1) == 1)
        def _():
            pltpu.make_async_copy(
                scores_hbm.at[row0], buf.at[pl.ds(0, _N)], sem1
            ).wait()

        def body(g, carry):
            ms, cis = carry
            new_ms, new_cis = [], []
            for a in range(_ACC):
                v = buf[pl.ds(off + g * (_ACC * _L) + a * _L, _L)]
                gt = v > ms[a]
                new_ms.append(jnp.where(gt, v, ms[a]))
                new_cis.append(jnp.where(gt, g, cis[a]))
            return tuple(new_ms), tuple(new_cis)

        m0 = tuple(jnp.full((_L,), -jnp.inf, jnp.float32) for _ in range(_ACC))
        i0 = tuple(jnp.zeros((_L,), jnp.int32) for _ in range(_ACC))
        ms, cis = lax.fori_loop(0, _GROUPS, body, (m0, i0), unroll=4)

        m = ms[0]
        fi = cis[0] * (_ACC * _L) + lane
        for a in range(1, _ACC):
            qv = ms[a]
            qi = cis[a] * (_ACC * _L) + a * _L + lane
            take = (qv > m) | ((qv == m) & (qi < fi))
            m = jnp.where(take, qv, m)
            fi = jnp.where(take, qi, fi)

        for s in (8, 4, 2, 1):
            perm = lane ^ s
            qv = m.at[perm].get(mode="promise_in_bounds")
            qi = fi.at[perm].get(mode="promise_in_bounds")
            take = (qv > m) | ((qv == m) & (qi < fi))
            m = jnp.where(take, qv, m)
            fi = jnp.where(take, qi, fi)

        return jnp.where(lane == (sid & 7) * _RPW + r, fi, res)

    res = lax.fori_loop(
        0, _RPW, row_body, jnp.zeros((_L,), jnp.int32), unroll=False
    )

    res_v[...] = res
    pltpu.sync_copy(res_v, shared.at[pl.ds(sid * _L, _L)])
    plsc.subcore_barrier()

    @pl.when(sid == 0)
    def _():
        pltpu.sync_copy(shared, pack_v)
        for half in range(2):
            acc = pack_v[pl.ds((half * 8) * _L, _L)]
            for s in range(1, 8):
                acc = acc + pack_v[pl.ds((half * 8 + s) * _L, _L)]
            out_v[pl.ds(half * _L, _L)] = acc
        pltpu.sync_copy(out_v, out_hbm.at[cid])


_argmax_sc = functools.partial(
    pl.kernel,
    out_type=jax.ShapeDtypeStruct((_NC, _NS * _RPW), jnp.int32),
    mesh=plsc.VectorSubcoreMesh(core_axis_name="c", subcore_axis_name="s"),
    scratch_types=[
        pltpu.VMEM((2 * _N,), jnp.float32),
        pltpu.VMEM((_L,), jnp.int32),
        pltpu.VMEM((_NS * _L,), jnp.int32),
        pltpu.VMEM((_NS * _RPW,), jnp.int32),
        pltpu.VMEM_SHARED((_NS * _L,), jnp.int32),
        pltpu.SemaphoreType.DMA,
        pltpu.SemaphoreType.DMA,
    ],
)(_argmax_sc_body)


def _argmax_tc_body(x_ref, o_ref):
    x = x_ref[...]
    m = jnp.max(x, axis=1, keepdims=True)
    iota = lax.broadcasted_iota(jnp.int32, (_BR, _N), 1)
    idx = jnp.min(jnp.where(x == m, iota, _INT_MAX), axis=1)
    o_ref[...] = idx.reshape(1, 1, _BR)


_argmax_tc = pl.pallas_call(
    _argmax_tc_body,
    grid=(_TC_ROWS // _BR,),
    in_specs=[pl.BlockSpec((_BR, _N), lambda i: (i, 0))],
    out_specs=pl.BlockSpec((1, 1, _BR), lambda i: (i, 0, 0)),
    out_shape=jax.ShapeDtypeStruct((_TC_ROWS // _BR, 1, _BR), jnp.int32),
)


@jax.jit
def kernel(scores):
    sc_out = _argmax_sc(scores)
    tc_out = _argmax_tc(scores)
    res = jnp.concatenate([tc_out.reshape(_TC_ROWS), sc_out.reshape(_SC_ROWS)])
    return res.astype(jnp.int64)

# --- scband reference (transcript-rebuilt; emitter-appended) ---
"""Pipeline reference for scband-greedy-policy-34136400068717 (READ-ONLY COPY).

The authoritative reference and input builder live on the scoring server;
editing this copy changes nothing except your own understanding.
"""

import jax, jax.numpy as jnp
import numpy as np

# GreedyPolicy wraps an inner value model and takes argmax over its rank-2 output.
# The inner 'model' is treated as identity here (the scores tensor IS the model
# output logits of shape [batch, num_actions]), which is the purest form of the
# greedy top-1 masking op: out = argmax(scores, axis=-1) with int64 output.

B = 128
N = 32768

def setup_inputs(seed: int = 0) -> dict:
    key = jax.random.key(seed)
    scores = jax.random.normal(key, (B, N), dtype=jnp.float32)
    return {"scores": scores}

def reference(scores) -> jnp.ndarray:
    # tf.math.argmax(model(inputs), axis=-1, output_type=tf.int64)
    out = jnp.argmax(scores, axis=-1).astype(jnp.int64)
    return out

if __name__ == "__main__":
    import jax
    _d = setup_inputs()
    print(jax.jit(kernel)(*tuple(_d.values())))

</pallas_src>

<mosaic_0001>
#map = affine_map<(d0, d1) -> (0, 0)>
module attributes {stable_mosaic.version = 14 : i64} {
  func.func @_argmax_sc_body(%arg0: i32, %arg1: i32, %arg2: memref<128x32768xf32, #tpu.memory_space<hbm>>, %arg3: memref<2x32xi32, #tpu.memory_space<hbm>>, %arg4: memref<65536xf32, #tpu.memory_space<vmem>>, %arg5: memref<16xi32, #tpu.memory_space<vmem>>, %arg6: memref<256xi32, #tpu.memory_space<vmem>>, %arg7: memref<32xi32, #tpu.memory_space<vmem>>, %arg8: memref<256xi32, #tpu.memory_space<vmem_shared>>, %arg9: memref<!tpu.dma_semaphore, #tpu.memory_space<semaphore_mem>>, %arg10: memref<!tpu.dma_semaphore, #tpu.memory_space<semaphore_mem>>) attributes {dimension_semantics = [#tpu.dimension_semantics<core_parallel>, #tpu.dimension_semantics<subcore_parallel>], iteration_bounds = array<i64: 2, 16>, scalar_prefetch = 0 : i64, scratch_operands = 7 : i64, tpu.core_type = #tpu.core_type<sc_vector_subcore>, window_params = [{transform_indices = #map}, {transform_indices = #map}]} {
    %iota3A = tpu.iota {dimensions = array<i32: 0>} : vector<16xi32>
    %mul3A = arith.constant 32 : i32
    %mul3A_0 = arith.muli %arg0, %mul3A : i32
    %add3A = arith.constant 64 : i32
    %add3A_1 = arith.addi %add3A, %mul3A_0 : i32
    %mul3A_2 = arith.constant 2 : i32
    %mul3A_3 = arith.muli %arg1, %mul3A_2 : i32
    %add3A_4 = arith.addi %add3A_1, %mul3A_3 : i32
    %dma_start3A = arith.constant 0 : i32
    %dma_start3A_5 = tpu.memref_slice %arg4[%dma_start3A] : memref<65536xf32, #tpu.memory_space<vmem>> -> memref<32768xf32, #tpu.memory_space<vmem>>
    %dma_start3A_6 = arith.constant 0 : i32
    %dma_start3A_7 = tpu.memref_slice %arg2[%add3A_4, %dma_start3A_6] : memref<128x32768xf32, #tpu.memory_space<hbm>> -> memref<1x32768xf32, #tpu.memory_space<hbm>>
    %dma_start3A_8 = tpu.memref_squeeze %dma_start3A_7 : memref<1x32768xf32, #tpu.memory_space<hbm>> -> memref<32768xf32, #tpu.memory_space<hbm>>
    %dma_start3A_9 = arith.constant 0 : i32
    %dma_start3A_10 = tpu.memref_slice %arg4[%dma_start3A_9] : memref<65536xf32, #tpu.memory_space<vmem>> -> memref<32768xf32, #tpu.memory_space<vmem>>
    %dma_start3A_11 = arith.constant 0 : i32
    %dma_start3A_12 = tpu.memref_slice %arg2[%add3A_4, %dma_start3A_11] : memref<128x32768xf32, #tpu.memory_space<hbm>> -> memref<1x32768xf32, #tpu.memory_space<hbm>>
    %dma_start3A_13 = tpu.memref_squeeze %dma_start3A_12 : memref<1x32768xf32, #tpu.memory_space<hbm>> -> memref<32768xf32, #tpu.memory_space<hbm>>
    tpu.enqueue_dma source(%dma_start3A_13 : memref<32768xf32, #tpu.memory_space<hbm>>) target(%dma_start3A_10 : memref<32768xf32, #tpu.memory_space<vmem>>) target_semaphore(%arg9 : memref<!tpu.dma_semaphore, #tpu.memory_space<semaphore_mem>>)
    %add3A_14 = arith.constant 1 : i32
    %add3A_15 = arith.addi %add3A_4, %add3A_14 : i32
    %dma_start3A_16 = arith.constant 32768 : i32
    %dma_start3A_17 = tpu.memref_slice %arg4[%dma_start3A_16] : memref<65536xf32, #tpu.memory_space<vmem>> -> memref<32768xf32, #tpu.memory_space<vmem>>
    %dma_start3A_18 = arith.constant 0 : i32
    %dma_start3A_19 = tpu.memref_slice %arg2[%add3A_15, %dma_start3A_18] : memref<128x32768xf32, #tpu.memory_space<hbm>> -> memref<1x32768xf32, #tpu.memory_space<hbm>>
    %dma_start3A_20 = tpu.memref_squeeze %dma_start3A_19 : memref<1x32768xf32, #tpu.memory_space<hbm>> -> memref<32768xf32, #tpu.memory_space<hbm>>
    %dma_start3A_21 = arith.constant 32768 : i32
    %dma_start3A_22 = tpu.memref_slice %arg4[%dma_start3A_21] : memref<65536xf32, #tpu.memory_space<vmem>> -> memref<32768xf32, #tpu.memory_space<vmem>>
    %dma_start3A_23 = arith.constant 0 : i32
    %dma_start3A_24 = tpu.memref_slice %arg2[%add3A_15, %dma_start3A_23] : memref<128x32768xf32, #tpu.memory_space<hbm>> -> memref<1x32768xf32, #tpu.memory_space<hbm>>
    %dma_start3A_25 = tpu.memref_squeeze %dma_start3A_24 : memref<1x32768xf32, #tpu.memory_space<hbm>> -> memref<32768xf32, #tpu.memory_space<hbm>>
    tpu.enqueue_dma source(%dma_start3A_25 : memref<32768xf32, #tpu.memory_space<hbm>>) target(%dma_start3A_22 : memref<32768xf32, #tpu.memory_space<vmem>>) target_semaphore(%arg10 : memref<!tpu.dma_semaphore, #tpu.memory_space<semaphore_mem>>)
    %broadcast_in_dim3A = arith.constant 0 : i32
    %broadcast_in_dim3A_26 = vector.broadcast %broadcast_in_dim3A : i32 to vector<16xi32>
    %scan3A = arith.constant 0 : i32
    %scan3A_27 = arith.constant 2 : i32
    %scan3A_28 = arith.addi %scan3A, %scan3A_27 : i32
    %scan3A_29 = arith.constant 1 : i32
    %scan3A_30 = scf.for %scan3A_39 = %scan3A to %scan3A_28 step %scan3A_29 iter_args(%scan3A_40 = %broadcast_in_dim3A_26) -> (vector<16xi32>)  : i32 {
      %and3A = arith.constant 1 : i32
      %and3A_41 = arith.andi %scan3A_39, %and3A : i32
      %mul3A_42 = arith.constant 32768 : i32
      %mul3A_43 = arith.muli %and3A_41, %mul3A_42 : i32
      %and3A_44 = arith.constant 1 : i32
      %and3A_45 = arith.andi %scan3A_39, %and3A_44 : i32
      %eq3A_46 = arith.constant 0 : i32
      %eq3A_47 = arith.cmpi eq, %and3A_45, %eq3A_46 : i32
      %convert_element_type3A_48 = arith.extui %eq3A_47 : i1 to i32
      %cond3A_49 = arith.constant 0 : i32
      %cond3A_50 = arith.cmpi ne, %convert_element_type3A_48, %cond3A_49 : i32
      scf.if %cond3A_50 {
        %dma_wait3A = arith.constant 0 : i32
        %dma_wait3A_248 = tpu.memref_slice %arg4[%dma_wait3A] : memref<65536xf32, #tpu.memory_space<vmem>> -> memref<32768xf32, #tpu.memory_space<vmem>>
        %dma_wait3A_249 = arith.constant 0 : i32
        %dma_wait3A_250 = tpu.memref_slice %arg2[%add3A_4, %dma_wait3A_249] : memref<128x32768xf32, #tpu.memory_space<hbm>> -> memref<1x32768xf32, #tpu.memory_space<hbm>>
        %dma_wait3A_251 = tpu.memref_squeeze %dma_wait3A_250 : memref<1x32768xf32, #tpu.memory_space<hbm>> -> memref<32768xf32, #tpu.memory_space<hbm>>
        %dma_wait3A_252 = arith.constant 0 : i32
        %dma_wait3A_253 = tpu.memref_slice %arg4[%dma_wait3A_252] : memref<65536xf32, #tpu.memory_space<vmem>> -> memref<32768xf32, #tpu.memory_space<vmem>>
        %dma_wait3A_254 = arith.constant 0 : i32
        %dma_wait3A_255 = tpu.memref_slice %arg2[%add3A_4, %dma_wait3A_254] : memref<128x32768xf32, #tpu.memory_space<hbm>> -> memref<1x32768xf32, #tpu.memory_space<hbm>>
        %dma_wait3A_256 = tpu.memref_squeeze %dma_wait3A_255 : memref<1x32768xf32, #tpu.memory_space<hbm>> -> memref<32768xf32, #tpu.memory_space<hbm>>
        tpu.wait_dma2 semaphore(%arg9 : memref<!tpu.dma_semaphore, #tpu.memory_space<semaphore_mem>>) src(%dma_wait3A_256 : memref<32768xf32, #tpu.memory_space<hbm>>) dst(%dma_wait3A_253 : memref<32768xf32, #tpu.memory_space<vmem>>)
      } else {
      }
      %and3A_51 = arith.constant 1 : i32
      %and3A_52 = arith.andi %scan3A_39, %and3A_51 : i32
      %eq3A_53 = arith.constant 1 : i32
      %eq3A_54 = arith.cmpi eq, %and3A_52, %eq3A_53 : i32
      %convert_element_type3A_55 = arith.extui %eq3A_54 : i1 to i32
      %cond3A_56 = arith.constant 0 : i32
      %cond3A_57 = arith.cmpi ne, %convert_element_type3A_55, %cond3A_56 : i32
      scf.if %cond3A_57 {
        %dma_wait3A = arith.constant 0 : i32
        %dma_wait3A_248 = tpu.memref_slice %arg4[%dma_wait3A] : memref<65536xf32, #tpu.memory_space<vmem>> -> memref<32768xf32, #tpu.memory_space<vmem>>
        %dma_wait3A_249 = arith.constant 0 : i32
        %dma_wait3A_250 = tpu.memref_slice %arg2[%add3A_4, %dma_wait3A_249] : memref<128x32768xf32, #tpu.memory_space<hbm>> -> memref<1x32768xf32, #tpu.memory_space<hbm>>
        %dma_wait3A_251 = tpu.memref_squeeze %dma_wait3A_250 : memref<1x32768xf32, #tpu.memory_space<hbm>> -> memref<32768xf32, #tpu.memory_space<hbm>>
        %dma_wait3A_252 = arith.constant 0 : i32
        %dma_wait3A_253 = tpu.memref_slice %arg4[%dma_wait3A_252] : memref<65536xf32, #tpu.memory_space<vmem>> -> memref<32768xf32, #tpu.memory_space<vmem>>
        %dma_wait3A_254 = arith.constant 0 : i32
        %dma_wait3A_255 = tpu.memref_slice %arg2[%add3A_4, %dma_wait3A_254] : memref<128x32768xf32, #tpu.memory_space<hbm>> -> memref<1x32768xf32, #tpu.memory_space<hbm>>
        %dma_wait3A_256 = tpu.memref_squeeze %dma_wait3A_255 : memref<1x32768xf32, #tpu.memory_space<hbm>> -> memref<32768xf32, #tpu.memory_space<hbm>>
        tpu.wait_dma2 semaphore(%arg10 : memref<!tpu.dma_semaphore, #tpu.memory_space<semaphore_mem>>) src(%dma_wait3A_256 : memref<32768xf32, #tpu.memory_space<hbm>>) dst(%dma_wait3A_253 : memref<32768xf32, #tpu.memory_space<vmem>>)
      } else {
      }
      %broadcast_in_dim3A_58 = arith.constant 0xFF800000 : f32
      %broadcast_in_dim3A_59 = vector.broadcast %broadcast_in_dim3A_58 : f32 to vector<16xf32>
      %broadcast_in_dim3A_60 = arith.constant 0xFF800000 : f32
      %broadcast_in_dim3A_61 = vector.broadcast %broadcast_in_dim3A_60 : f32 to vector<16xf32>
      %broadcast_in_dim3A_62 = arith.constant 0xFF800000 : f32
      %broadcast_in_dim3A_63 = vector.broadcast %broadcast_in_dim3A_62 : f32 to vector<16xf32>
      %broadcast_in_dim3A_64 = arith.constant 0xFF800000 : f32
      %broadcast_in_dim3A_65 = vector.broadcast %broadcast_in_dim3A_64 : f32 to vector<16xf32>
      %broadcast_in_dim3A_66 = arith.constant 0 : i32
      %broadcast_in_dim3A_67 = vector.broadcast %broadcast_in_dim3A_66 : i32 to vector<16xi32>
      %broadcast_in_dim3A_68 = arith.constant 0 : i32
      %broadcast_in_dim3A_69 = vector.broadcast %broadcast_in_dim3A_68 : i32 to vector<16xi32>
      %broadcast_in_dim3A_70 = arith.constant 0 : i32
      %broadcast_in_dim3A_71 = vector.broadcast %broadcast_in_dim3A_70 : i32 to vector<16xi32>
      %broadcast_in_dim3A_72 = arith.constant 0 : i32
      %broadcast_in_dim3A_73 = vector.broadcast %broadcast_in_dim3A_72 : i32 to vector<16xi32>
      %scan3A_74 = arith.constant 0 : i32
      %scan3A_75 = arith.constant 512 : i32
      %scan3A_76 = arith.addi %scan3A_74, %scan3A_75 : i32
      %scan3A_77 = arith.constant 4 : i32
      %scan3A_78:8 = scf.for %scan3A_248 = %scan3A_74 to %scan3A_76 step %scan3A_77 iter_args(%scan3A_249 = %broadcast_in_dim3A_59, %scan3A_250 = %broadcast_in_dim3A_61, %scan3A_251 = %broadcast_in_dim3A_63, %scan3A_252 = %broadcast_in_dim3A_65, %scan3A_253 = %broadcast_in_dim3A_67, %scan3A_254 = %broadcast_in_dim3A_69, %scan3A_255 = %broadcast_in_dim3A_71, %scan3A_256 = %broadcast_in_dim3A_73) -> (vector<16xf32>, vector<16xf32>, vector<16xf32>, vector<16xf32>, vector<16xi32>, vector<16xi32>, vector<16xi32>, vector<16xi32>)  : i32 {
        %mul3A_257 = arith.constant 64 : i32
        %mul3A_258 = arith.muli %scan3A_248, %mul3A_257 : i32
        %add3A_259 = arith.addi %mul3A_43, %mul3A_258 : i32
        %add3A_260 = arith.constant 0 : i32
        %add3A_261 = arith.addi %add3A_259, %add3A_260 : i32
        %get3A = arith.index_cast %add3A_261 : i32 to index
        %get3A_262 = tpu.vector_load %arg4[%get3A] {strides = array<i32>} : memref<65536xf32, #tpu.memory_space<vmem>>, vector<16xf32>,
        %get3A_263 = vector.shape_cast %get3A_262 : vector<16xf32> to vector<16xf32>
        %gt3A_264 = arith.cmpf ogt, %get3A_263, %scan3A_249 : vector<16xf32>
        %select_n3A_265 = arith.select %gt3A_264, %get3A_263, %scan3A_249 : vector<16xi1>, vector<16xf32>
        %broadcast_in_dim3A_266 = vector.broadcast %scan3A_248 : i32 to vector<16xi32>
        %select_n3A_267 = arith.select %gt3A_264, %broadcast_in_dim3A_266, %scan3A_253 : vector<16xi1>, vector<16xi32>
        %mul3A_268 = arith.constant 64 : i32
        %mul3A_269 = arith.muli %scan3A_248, %mul3A_268 : i32
        %add3A_270 = arith.addi %mul3A_43, %mul3A_269 : i32
        %add3A_271 = arith.constant 16 : i32
        %add3A_272 = arith.addi %add3A_270, %add3A_271 : i32
        %get3A_273 = arith.index_cast %add3A_272 : i32 to index
        %get3A_274 = tpu.vector_load %arg4[%get3A_273] {strides = array<i32>} : memref<65536xf32, #tpu.memory_space<vmem>>, vector<16xf32>,
        %get3A_275 = vector.shape_cast %get3A_274 : vector<16xf32> to vector<16xf32>
        %gt3A_276 = arith.cmpf ogt, %get3A_275, %scan3A_250 : vector<16xf32>
        %select_n3A_277 = arith.select %gt3A_276, %get3A_275, %scan3A_250 : vector<16xi1>, vector<16xf32>
        %broadcast_in_dim3A_278 = vector.broadcast %scan3A_248 : i32 to vector<16xi32>
        %select_n3A_279 = arith.select %gt3A_276, %broadcast_in_dim3A_278, %scan3A_254 : vector<16xi1>, vector<16xi32>
        %mul3A_280 = arith.constant 64 : i32
        %mul3A_281 = arith.muli %scan3A_248, %mul3A_280 : i32
        %add3A_282 = arith.addi %mul3A_43, %mul3A_281 : i32
        %add3A_283 = arith.constant 32 : i32
        %add3A_284 = arith.addi %add3A_282, %add3A_283 : i32
        %get3A_285 = arith.index_cast %add3A_284 : i32 to index
        %get3A_286 = tpu.vector_load %arg4[%get3A_285] {strides = array<i32>} : memref<65536xf32, #tpu.memory_space<vmem>>, vector<16xf32>,
        %get3A_287 = vector.shape_cast %get3A_286 : vector<16xf32> to vector<16xf32>
        %gt3A_288 = arith.cmpf ogt, %get3A_287, %scan3A_251 : vector<16xf32>
        %select_n3A_289 = arith.select %gt3A_288, %get3A_287, %scan3A_251 : vector<16xi1>, vector<16xf32>
        %broadcast_in_dim3A_290 = vector.broadcast %scan3A_248 : i32 to vector<16xi32>
        %select_n3A_291 = arith.select %gt3A_288, %broadcast_in_dim3A_290, %scan3A_255 : vector<16xi1>, vector<16xi32>
        %mul3A_292 = arith.constant 64 : i32
        %mul3A_293 = arith.muli %scan3A_248, %mul3A_292 : i32
        %add3A_294 = arith.addi %mul3A_43, %mul3A_293 : i32
        %add3A_295 = arith.constant 48 : i32
        %add3A_296 = arith.addi %add3A_294, %add3A_295 : i32
        %get3A_297 = arith.index_cast %add3A_296 : i32 to index
        %get3A_298 = tpu.vector_load %arg4[%get3A_297] {strides = array<i32>} : memref<65536xf32, #tpu.memory_space<vmem>>, vector<16xf32>,
        %get3A_299 = vector.shape_cast %get3A_298 : vector<16xf32> to vector<16xf32>
        %gt3A_300 = arith.cmpf ogt, %get3A_299, %scan3A_252 : vector<16xf32>
        %select_n3A_301 = arith.select %gt3A_300, %get3A_299, %scan3A_252 : vector<16xi1>, vector<16xf32>
        %broadcast_in_dim3A_302 = vector.broadcast %scan3A_248 : i32 to vector<16xi32>
        %select_n3A_303 = arith.select %gt3A_300, %broadcast_in_dim3A_302, %scan3A_256 : vector<16xi1>, vector<16xi32>
        %scan3A_304 = arith.constant 1 : i32
        %scan3A_305 = arith.addi %scan3A_248, %scan3A_304 : i32
        %mul3A_306 = arith.constant 64 : i32
        %mul3A_307 = arith.muli %scan3A_305, %mul3A_306 : i32
        %add3A_308 = arith.addi %mul3A_43, %mul3A_307 : i32
        %add3A_309 = arith.constant 0 : i32
        %add3A_310 = arith.addi %add3A_308, %add3A_309 : i32
        %get3A_311 = arith.index_cast %add3A_310 : i32 to index
        %get3A_312 = tpu.vector_load %arg4[%get3A_311] {strides = array<i32>} : memref<65536xf32, #tpu.memory_space<vmem>>, vector<16xf32>,
        %get3A_313 = vector.shape_cast %get3A_312 : vector<16xf32> to vector<16xf32>
        %gt3A_314 = arith.cmpf ogt, %get3A_313, %select_n3A_265 : vector<16xf32>
        %select_n3A_315 = arith.select %gt3A_314, %get3A_313, %select_n3A_265 : vector<16xi1>, vector<16xf32>
        %broadcast_in_dim3A_316 = vector.broadcast %scan3A_305 : i32 to vector<16xi32>
        %select_n3A_317 = arith.select %gt3A_314, %broadcast_in_dim3A_316, %select_n3A_267 : vector<16xi1>, vector<16xi32>
        %mul3A_318 = arith.constant 64 : i32
        %mul3A_319 = arith.muli %scan3A_305, %mul3A_318 : i32
        %add3A_320 = arith.addi %mul3A_43, %mul3A_319 : i32
        %add3A_321 = arith.constant 16 : i32
        %add3A_322 = arith.addi %add3A_320, %add3A_321 : i32
        %get3A_323 = arith.index_cast %add3A_322 : i32 to index
        %get3A_324 = tpu.vector_load %arg4[%get3A_323] {strides = array<i32>} : memref<65536xf32, #tpu.memory_space<vmem>>, vector<16xf32>,
        %get3A_325 = vector.shape_cast %get3A_324 : vector<16xf32> to vector<16xf32>
        %gt3A_326 = arith.cmpf ogt, %get3A_325, %select_n3A_277 : vector<16xf32>
        %select_n3A_327 = arith.select %gt3A_326, %get3A_325, %select_n3A_277 : vector<16xi1>, vector<16xf32>
        %broadcast_in_dim3A_328 = vector.broadcast %scan3A_305 : i32 to vector<16xi32>
        %select_n3A_329 = arith.select %gt3A_326, %broadcast_in_dim3A_328, %select_n3A_279 : vector<16xi1>, vector<16xi32>
        %mul3A_330 = arith.constant 64 : i32
        %mul3A_331 = arith.muli %scan3A_305, %mul3A_330 : i32
        %add3A_332 = arith.addi %mul3A_43, %mul3A_331 : i32
        %add3A_333 = arith.constant 32 : i32
        %add3A_334 = arith.addi %add3A_332, %add3A_333 : i32
        %get3A_335 = arith.index_cast %add3A_334 : i32 to index
        %get3A_336 = tpu.vector_load %arg4[%get3A_335] {strides = array<i32>} : memref<65536xf32, #tpu.memory_space<vmem>>, vector<16xf32>,
        %get3A_337 = vector.shape_cast %get3A_336 : vector<16xf32> to vector<16xf32>
        %gt3A_338 = arith.cmpf ogt, %get3A_337, %select_n3A_289 : vector<16xf32>
        %select_n3A_339 = arith.select %gt3A_338, %get3A_337, %select_n3A_289 : vector<16xi1>, vector<16xf32>
        %broadcast_in_dim3A_340 = vector.broadcast %scan3A_305 : i32 to vector<16xi32>
        %select_n3A_341 = arith.select %gt3A_338, %broadcast_in_dim3A_340, %select_n3A_291 : vector<16xi1>, vector<16xi32>
        %mul3A_342 = arith.constant 64 : i32
        %mul3A_343 = arith.muli %scan3A_305, %mul3A_342 : i32
        %add3A_344 = arith.addi %mul3A_43, %mul3A_343 : i32
        %add3A_345 = arith.constant 48 : i32
        %add3A_346 = arith.addi %add3A_344, %add3A_345 : i32
        %get3A_347 = arith.index_cast %add3A_346 : i32 to index
        %get3A_348 = tpu.vector_load %arg4[%get3A_347] {strides = array<i32>} : memref<65536xf32, #tpu.memory_space<vmem>>, vector<16xf32>,
        %get3A_349 = vector.shape_cast %get3A_348 : vector<16xf32> to vector<16xf32>
        %gt3A_350 = arith.cmpf ogt, %get3A_349, %select_n3A_301 : vector<16xf32>
        %select_n3A_351 = arith.select %gt3A_350, %get3A_349, %select_n3A_301 : vector<16xi1>, vector<16xf32>
        %broadcast_in_dim3A_352 = vector.broadcast %scan3A_305 : i32 to vector<16xi32>
        %select_n3A_353 = arith.select %gt3A_350, %broadcast_in_dim3A_352, %select_n3A_303 : vector<16xi1>, vector<16xi32>
        %scan3A_354 = arith.constant 2 : i32
        %scan3A_355 = arith.addi %scan3A_248, %scan3A_354 : i32
        %mul3A_356 = arith.constant 64 : i32
        %mul3A_357 = arith.muli %scan3A_355, %mul3A_356 : i32
        %add3A_358 = arith.addi %mul3A_43, %mul3A_357 : i32
        %add3A_359 = arith.constant 0 : i32
        %add3A_360 = arith.addi %add3A_358, %add3A_359 : i32
        %get3A_361 = arith.index_cast %add3A_360 : i32 to index
        %get3A_362 = tpu.vector_load %arg4[%get3A_361] {strides = array<i32>} : memref<65536xf32, #tpu.memory_space<vmem>>, vector<16xf32>,
        %get3A_363 = vector.shape_cast %get3A_362 : vector<16xf32> to vector<16xf32>
        %gt3A_364 = arith.cmpf ogt, %get3A_363, %select_n3A_315 : vector<16xf32>
        %select_n3A_365 = arith.select %gt3A_364, %get3A_363, %select_n3A_315 : vector<16xi1>, vector<16xf32>
        %broadcast_in_dim3A_366 = vector.broadcast %scan3A_355 : i32 to vector<16xi32>
        %select_n3A_367 = arith.select %gt3A_364, %broadcast_in_dim3A_366, %select_n3A_317 : vector<16xi1>, vector<16xi32>
        %mul3A_368 = arith.constant 64 : i32
        %mul3A_369 = arith.muli %scan3A_355, %mul3A_368 : i32
        %add3A_370 = arith.addi %mul3A_43, %mul3A_369 : i32
        %add3A_371 = arith.constant 16 : i32
        %add3A_372 = arith.addi %add3A_370, %add3A_371 : i32
        %get3A_373 = arith.index_cast %add3A_372 : i32 to index
        %get3A_374 = tpu.vector_load %arg4[%get3A_373] {strides = array<i32>} : memref<65536xf32, #tpu.memory_space<vmem>>, vector<16xf32>,
        %get3A_375 = vector.shape_cast %get3A_374 : vector<16xf32> to vector<16xf32>
        %gt3A_376 = arith.cmpf ogt, %get3A_375, %select_n3A_327 : vector<16xf32>
        %select_n3A_377 = arith.select %gt3A_376, %get3A_375, %select_n3A_327 : vector<16xi1>, vector<16xf32>
        %broadcast_in_dim3A_378 = vector.broadcast %scan3A_355 : i32 to vector<16xi32>
        %select_n3A_379 = arith.select %gt3A_376, %broadcast_in_dim3A_378, %select_n3A_329 : vector<16xi1>, vector<16xi32>
        %mul3A_380 = arith.constant 64 : i32
        %mul3A_381 = arith.muli %scan3A_355, %mul3A_380 : i32
        %add3A_382 = arith.addi %mul3A_43, %mul3A_381 : i32
        %add3A_383 = arith.constant 32 : i32
        %add3A_384 = arith.addi %add3A_382, %add3A_383 : i32
        %get3A_385 = arith.index_cast %add3A_384 : i32 to index
        %get3A_386 = tpu.vector_load %arg4[%get3A_385] {strides = array<i32>} : memref<65536xf32, #tpu.memory_space<vmem>>, vector<16xf32>,
        %get3A_387 = vector.shape_cast %get3A_386 : vector<16xf32> to vector<16xf32>
        %gt3A_388 = arith.cmpf ogt, %get3A_387, %select_n3A_339 : vector<16xf32>
        %select_n3A_389 = arith.select %gt3A_388, %get3A_387, %select_n3A_339 : vector<16xi1>, vector<16xf32>
        %broadcast_in_dim3A_390 = vector.broadcast %scan3A_355 : i32 to vector<16xi32>
        %select_n3A_391 = arith.select %gt3A_388, %broadcast_in_dim3A_390, %select_n3A_341 : vector<16xi1>, vector<16xi32>
        %mul3A_392 = arith.constant 64 : i32
        %mul3A_393 = arith.muli %scan3A_355, %mul3A_392 : i32
        %add3A_394 = arith.addi %mul3A_43, %mul3A_393 : i32
        %add3A_395 = arith.constant 48 : i32
        %add3A_396 = arith.addi %add3A_394, %add3A_395 : i32
        %get3A_397 = arith.index_cast %add3A_396 : i32 to index
        %get3A_398 = tpu.vector_load %arg4[%get3A_397] {strides = array<i32>} : memref<65536xf32, #tpu.memory_space<vmem>>, vector<16xf32>,
        %get3A_399 = vector.shape_cast %get3A_398 : vector<16xf32> to vector<16xf32>
        %gt3A_400 = arith.cmpf ogt, %get3A_399, %select_n3A_351 : vector<16xf32>
        %select_n3A_401 = arith.select %gt3A_400, %get3A_399, %select_n3A_351 : vector<16xi1>, vector<16xf32>
        %broadcast_in_dim3A_402 = vector.broadcast %scan3A_355 : i32 to vector<16xi32>
        %select_n3A_403 = arith.select %gt3A_400, %broadcast_in_dim3A_402, %select_n3A_353 : vector<16xi1>, vector<16xi32>
        %scan3A_404 = arith.constant 3 : i32
        %scan3A_405 = arith.addi %scan3A_248, %scan3A_404 : i32
        %mul3A_406 = arith.constant 64 : i32
        %mul3A_407 = arith.muli %scan3A_405, %mul3A_406 : i32
        %add3A_408 = arith.addi %mul3A_43, %mul3A_407 : i32
        %add3A_409 = arith.constant 0 : i32
        %add3A_410 = arith.addi %add3A_408, %add3A_409 : i32
        %get3A_411 = arith.index_cast %add3A_410 : i32 to index
        %get3A_412 = tpu.vector_load %arg4[%get3A_411] {strides = array<i32>} : memref<65536xf32, #tpu.memory_space<vmem>>, vector<16xf32>,
        %get3A_413 = vector.shape_cast %get3A_412 : vector<16xf32> to vector<16xf32>
        %gt3A_414 = arith.cmpf ogt, %get3A_413, %select_n3A_365 : vector<16xf32>
        %select_n3A_415 = arith.select %gt3A_414, %get3A_413, %select_n3A_365 : vector<16xi1>, vector<16xf32>
        %broadcast_in_dim3A_416 = vector.broadcast %scan3A_405 : i32 to vector<16xi32>
        %select_n3A_417 = arith.select %gt3A_414, %broadcast_in_dim3A_416, %select_n3A_367 : vector<16xi1>, vector<16xi32>
        %mul3A_418 = arith.constant 64 : i32
        %mul3A_419 = arith.muli %scan3A_405, %mul3A_418 : i32
        %add3A_420 = arith.addi %mul3A_43, %mul3A_419 : i32
        %add3A_421 = arith.constant 16 : i32
        %add3A_422 = arith.addi %add3A_420, %add3A_421 : i32
        %get3A_423 = arith.index_cast %add3A_422 : i32 to index
        %get3A_424 = tpu.vector_load %arg4[%get3A_423] {strides = array<i32>} : memref<65536xf32, #tpu.memory_space<vmem>>, vector<16xf32>,
        %get3A_425 = vector.shape_cast %get3A_424 : vector<16xf32> to vector<16xf32>
        %gt3A_426 = arith.cmpf ogt, %get3A_425, %select_n3A_377 : vector<16xf32>
        %select_n3A_427 = arith.select %gt3A_426, %get3A_425, %select_n3A_377 : vector<16xi1>, vector<16xf32>
        %broadcast_in_dim3A_428 = vector.broadcast %scan3A_405 : i32 to vector<16xi32>
        %select_n3A_429 = arith.select %gt3A_426, %broadcast_in_dim3A_428, %select_n3A_379 : vector<16xi1>, vector<16xi32>
        %mul3A_430 = arith.constant 64 : i32
        %mul3A_431 = arith.muli %scan3A_405, %mul3A_430 : i32
        %add3A_432 = arith.addi %mul3A_43, %mul3A_431 : i32
        %add3A_433 = arith.constant 32 : i32
        %add3A_434 = arith.addi %add3A_432, %add3A_433 : i32
        %get3A_435 = arith.index_cast %add3A_434 : i32 to index
        %get3A_436 = tpu.vector_load %arg4[%get3A_435] {strides = array<i32>} : memref<65536xf32, #tpu.memory_space<vmem>>, vector<16xf32>,
        %get3A_437 = vector.shape_cast %get3A_436 : vector<16xf32> to vector<16xf32>
        %gt3A_438 = arith.cmpf ogt, %get3A_437, %select_n3A_389 : vector<16xf32>
        %select_n3A_439 = arith.select %gt3A_438, %get3A_437, %select_n3A_389 : vector<16xi1>, vector<16xf32>
        %broadcast_in_dim3A_440 = vector.broadcast %scan3A_405 : i32 to vector<16xi32>
        %select_n3A_441 = arith.select %gt3A_438, %broadcast_in_dim3A_440, %select_n3A_391 : vector<16xi1>, vector<16xi32>
        %mul3A_442 = arith.constant 64 : i32
        %mul3A_443 = arith.muli %scan3A_405, %mul3A_442 : i32
        %add3A_444 = arith.addi %mul3A_43, %mul3A_443 : i32
        %add3A_445 = arith.constant 48 : i32
        %add3A_446 = arith.addi %add3A_444, %add3A_445 : i32
        %get3A_447 = arith.index_cast %add3A_446 : i32 to index
        %get3A_448 = tpu.vector_load %arg4[%get3A_447] {strides = array<i32>} : memref<65536xf32, #tpu.memory_space<vmem>>, vector<16xf32>,
        %get3A_449 = vector.shape_cast %get3A_448 : vector<16xf32> to vector<16xf32>
        %gt3A_450 = arith.cmpf ogt, %get3A_449, %select_n3A_401 : vector<16xf32>
        %select_n3A_451 = arith.select %gt3A_450, %get3A_449, %select_n3A_401 : vector<16xi1>, vector<16xf32>
        %broadcast_in_dim3A_452 = vector.broadcast %scan3A_405 : i32 to vector<16xi32>
        %select_n3A_453 = arith.select %gt3A_450, %broadcast_in_dim3A_452, %select_n3A_403 : vector<16xi1>, vector<16xi32>
        scf.yield %select_n3A_415, %select_n3A_427, %select_n3A_439, %select_n3A_451, %select_n3A_417, %select_n3A_429, %select_n3A_441, %select_n3A_453 : vector<16xf32>, vector<16xf32>, vector<16xf32>, vector<16xf32>, vector<16xi32>, vector<16xi32>, vector<16xi32>, vector<16xi32>
      }
      %scan3A_79 = arith.constant 512 : i32
      %mul3A_80 = arith.constant 64 : i32
      %mul3A_81 = vector.broadcast %mul3A_80 : i32 to vector<16xi32>
      %mul3A_82 = arith.muli %scan3A_78#4, %mul3A_81 : vector<16xi32>
      %add3A_83 = arith.addi %mul3A_82, %iota3A : vector<16xi32>
      %mul3A_84 = arith.constant 64 : i32
      %mul3A_85 = vector.broadcast %mul3A_84 : i32 to vector<16xi32>
      %mul3A_86 = arith.muli %scan3A_78#5, %mul3A_85 : vector<16xi32>
      %add3A_87 = arith.constant 16 : i32
      %add3A_88 = vector.broadcast %add3A_87 : i32 to vector<16xi32>
      %add3A_89 = arith.addi %mul3A_86, %add3A_88 : vector<16xi32>
      %add3A_90 = arith.addi %add3A_89, %iota3A : vector<16xi32>
      %gt3A = arith.cmpf ogt, %scan3A_78#1, %scan3A_78#0 : vector<16xf32>
      %eq3A_91 = arith.cmpf oeq, %scan3A_78#1, %scan3A_78#0 : vector<16xf32>
      %lt3A = arith.cmpi slt, %add3A_90, %add3A_83 : vector<16xi32>
      %and3A_92 = arith.andi %eq3A_91, %lt3A : vector<16xi1>
      %or3A = arith.ori %gt3A, %and3A_92 : vector<16xi1>
      %select_n3A = arith.select %or3A, %scan3A_78#1, %scan3A_78#0 : vector<16xi1>, vector<16xf32>
      %select_n3A_93 = arith.select %or3A, %add3A_90, %add3A_83 : vector<16xi1>, vector<16xi32>
      %mul3A_94 = arith.constant 64 : i32
      %mul3A_95 = vector.broadcast %mul3A_94 : i32 to vector<16xi32>
      %mul3A_96 = arith.muli %scan3A_78#6, %mul3A_95 : vector<16xi32>
      %add3A_97 = arith.constant 32 : i32
      %add3A_98 = vector.broadcast %add3A_97 : i32 to vector<16xi32>
      %add3A_99 = arith.addi %mul3A_96, %add3A_98 : vector<16xi32>
      %add3A_100 = arith.addi %add3A_99, %iota3A : vector<16xi32>
      %gt3A_101 = arith.cmpf ogt, %scan3A_78#2, %select_n3A : vector<16xf32>
      %eq3A_102 = arith.cmpf oeq, %scan3A_78#2, %select_n3A : vector<16xf32>
      %lt3A_103 = arith.cmpi slt, %add3A_100, %select_n3A_93 : vector<16xi32>
      %and3A_104 = arith.andi %eq3A_102, %lt3A_103 : vector<16xi1>
      %or3A_105 = arith.ori %gt3A_101, %and3A_104 : vector<16xi1>
      %select_n3A_106 = arith.select %or3A_105, %scan3A_78#2, %select_n3A : vector<16xi1>, vector<16xf32>
      %select_n3A_107 = arith.select %or3A_105, %add3A_100, %select_n3A_93 : vector<16xi1>, vector<16xi32>
      %mul3A_108 = arith.constant 64 : i32
      %mul3A_109 = vector.broadcast %mul3A_108 : i32 to vector<16xi32>
      %mul3A_110 = arith.muli %scan3A_78#7, %mul3A_109 : vector<16xi32>
      %add3A_111 = arith.constant 48 : i32
      %add3A_112 = vector.broadcast %add3A_111 : i32 to vector<16xi32>
      %add3A_113 = arith.addi %mul3A_110, %add3A_112 : vector<16xi32>
      %add3A_114 = arith.addi %add3A_113, %iota3A : vector<16xi32>
      %gt3A_115 = arith.cmpf ogt, %scan3A_78#3, %select_n3A_106 : vector<16xf32>
      %eq3A_116 = arith.cmpf oeq, %scan3A_78#3, %select_n3A_106 : vector<16xf32>
      %lt3A_117 = arith.cmpi slt, %add3A_114, %select_n3A_107 : vector<16xi32>
      %and3A_118 = arith.andi %eq3A_116, %lt3A_117 : vector<16xi1>
      %or3A_119 = arith.ori %gt3A_115, %and3A_118 : vector<16xi1>
      %select_n3A_120 = arith.select %or3A_119, %scan3A_78#3, %select_n3A_106 : vector<16xi1>, vector<16xf32>
      %select_n3A_121 = arith.select %or3A_119, %add3A_114, %select_n3A_107 : vector<16xi1>, vector<16xi32>
      %xor3A = arith.constant 8 : i32
      %xor3A_122 = vector.broadcast %xor3A : i32 to vector<16xi32>
      %xor3A_123 = arith.xori %iota3A, %xor3A_122 : vector<16xi32>
      %lt3A_124 = arith.constant 0 : i32
      %lt3A_125 = vector.broadcast %lt3A_124 : i32 to vector<16xi32>
      %lt3A_126 = arith.cmpi slt, %xor3A_123, %lt3A_125 : vector<16xi32>
      %add3A_127 = arith.constant 16 : i32
      %add3A_128 = vector.broadcast %add3A_127 : i32 to vector<16xi32>
      %add3A_129 = arith.addi %xor3A_123, %add3A_128 : vector<16xi32>
      %select_n3A_130 = arith.select %lt3A_126, %add3A_129, %xor3A_123 : vector<16xi1>, vector<16xi32>
      %broadcast_in_dim3A_131 = vector.shape_cast %select_n3A_130 : vector<16xi32> to vector<16x1xi32>
      %gather3A = vector.shape_cast %broadcast_in_dim3A_131 : vector<16x1xi32> to vector<16xi32>
      %gather3A_132 = tpu.dynamic_gather %select_n3A_120[%gather3A] in [0] : vector<16xf32>, vector<16xi32> -> vector<16xf32>
      %lt3A_133 = arith.constant 0 : i32
      %lt3A_134 = vector.broadcast %lt3A_133 : i32 to vector<16xi32>
      %lt3A_135 = arith.cmpi slt, %xor3A_123, %lt3A_134 : vector<16xi32>
      %add3A_136 = arith.constant 16 : i32
      %add3A_137 = vector.broadcast %add3A_136 : i32 to vector<16xi32>
      %add3A_138 = arith.addi %xor3A_123, %add3A_137 : vector<16xi32>
      %select_n3A_139 = arith.select %lt3A_135, %add3A_138, %xor3A_123 : vector<16xi1>, vector<16xi32>
      %broadcast_in_dim3A_140 = vector.shape_cast %select_n3A_139 : vector<16xi32> to vector<16x1xi32>
      %gather3A_141 = vector.shape_cast %broadcast_in_dim3A_140 : vector<16x1xi32> to vector<16xi32>
      %gather3A_142 = tpu.dynamic_gather %select_n3A_121[%gather3A_141] in [0] : vector<16xi32>, vector<16xi32> -> vector<16xi32>
      %gt3A_143 = arith.cmpf ogt, %gather3A_132, %select_n3A_120 : vector<16xf32>
      %eq3A_144 = arith.cmpf oeq, %gather3A_132, %select_n3A_120 : vector<16xf32>
      %lt3A_145 = arith.cmpi slt, %gather3A_142, %select_n3A_121 : vector<16xi32>
      %and3A_146 = arith.andi %eq3A_144, %lt3A_145 : vector<16xi1>
      %or3A_147 = arith.ori %gt3A_143, %and3A_146 : vector<16xi1>
      %select_n3A_148 = arith.select %or3A_147, %gather3A_132, %select_n3A_120 : vector<16xi1>, vector<16xf32>
      %select_n3A_149 = arith.select %or3A_147, %gather3A_142, %select_n3A_121 : vector<16xi1>, vector<16xi32>
      %xor3A_150 = arith.constant 4 : i32
      %xor3A_151 = vector.broadcast %xor3A_150 : i32 to vector<16xi32>
      %xor3A_152 = arith.xori %iota3A, %xor3A_151 : vector<16xi32>
      %lt3A_153 = arith.constant 0 : i32
      %lt3A_154 = vector.broadcast %lt3A_153 : i32 to vector<16xi32>
      %lt3A_155 = arith.cmpi slt, %xor3A_152, %lt3A_154 : vector<16xi32>
      %add3A_156 = arith.constant 16 : i32
      %add3A_157 = vector.broadcast %add3A_156 : i32 to vector<16xi32>
      %add3A_158 = arith.addi %xor3A_152, %add3A_157 : vector<16xi32>
      %select_n3A_159 = arith.select %lt3A_155, %add3A_158, %xor3A_152 : vector<16xi1>, vector<16xi32>
      %broadcast_in_dim3A_160 = vector.shape_cast %select_n3A_159 : vector<16xi32> to vector<16x1xi32>
      %gather3A_161 = vector.shape_cast %broadcast_in_dim3A_160 : vector<16x1xi32> to vector<16xi32>
      %gather3A_162 = tpu.dynamic_gather %select_n3A_148[%gather3A_161] in [0] : vector<16xf32>, vector<16xi32> -> vector<16xf32>
      %lt3A_163 = arith.constant 0 : i32
      %lt3A_164 = vector.broadcast %lt3A_163 : i32 to vector<16xi32>
      %lt3A_165 = arith.cmpi slt, %xor3A_152, %lt3A_164 : vector<16xi32>
      %add3A_166 = arith.constant 16 : i32
      %add3A_167 = vector.broadcast %add3A_166 : i32 to vector<16xi32>
      %add3A_168 = arith.addi %xor3A_152, %add3A_167 : vector<16xi32>
      %select_n3A_169 = arith.select %lt3A_165, %add3A_168, %xor3A_152 : vector<16xi1>, vector<16xi32>
      %broadcast_in_dim3A_170 = vector.shape_cast %select_n3A_169 : vector<16xi32> to vector<16x1xi32>
      %gather3A_171 = vector.shape_cast %broadcast_in_dim3A_170 : vector<16x1xi32> to vector<16xi32>
      %gather3A_172 = tpu.dynamic_gather %select_n3A_149[%gather3A_171] in [0] : vector<16xi32>, vector<16xi32> -> vector<16xi32>
      %gt3A_173 = arith.cmpf ogt, %gather3A_162, %select_n3A_148 : vector<16xf32>
      %eq3A_174 = arith.cmpf oeq, %gather3A_162, %select_n3A_148 : vector<16xf32>
      %lt3A_175 = arith.cmpi slt, %gather3A_172, %select_n3A_149 : vector<16xi32>
      %and3A_176 = arith.andi %eq3A_174, %lt3A_175 : vector<16xi1>
      %or3A_177 = arith.ori %gt3A_173, %and3A_176 : vector<16xi1>
      %select_n3A_178 = arith.select %or3A_177, %gather3A_162, %select_n3A_148 : vector<16xi1>, vector<16xf32>
      %select_n3A_179 = arith.select %or3A_177, %gather3A_172, %select_n3A_149 : vector<16xi1>, vector<16xi32>
      %xor3A_180 = arith.constant 2 : i32
      %xor3A_181 = vector.broadcast %xor3A_180 : i32 to vector<16xi32>
      %xor3A_182 = arith.xori %iota3A, %xor3A_181 : vector<16xi32>
      %lt3A_183 = arith.constant 0 : i32
      %lt3A_184 = vector.broadcast %lt3A_183 : i32 to vector<16xi32>
      %lt3A_185 = arith.cmpi slt, %xor3A_182, %lt3A_184 : vector<16xi32>
      %add3A_186 = arith.constant 16 : i32
      %add3A_187 = vector.broadcast %add3A_186 : i32 to vector<16xi32>
      %add3A_188 = arith.addi %xor3A_182, %add3A_187 : vector<16xi32>
      %select_n3A_189 = arith.select %lt3A_185, %add3A_188, %xor3A_182 : vector<16xi1>, vector<16xi32>
      %broadcast_in_dim3A_190 = vector.shape_cast %select_n3A_189 : vector<16xi32> to vector<16x1xi32>
      %gather3A_191 = vector.shape_cast %broadcast_in_dim3A_190 : vector<16x1xi32> to vector<16xi32>
      %gather3A_192 = tpu.dynamic_gather %select_n3A_178[%gather3A_191] in [0] : vector<16xf32>, vector<16xi32> -> vector<16xf32>
      %lt3A_193 = arith.constant 0 : i32
      %lt3A_194 = vector.broadcast %lt3A_193 : i32 to vector<16xi32>
      %lt3A_195 = arith.cmpi slt, %xor3A_182, %lt3A_194 : vector<16xi32>
      %add3A_196 = arith.constant 16 : i32
      %add3A_197 = vector.broadcast %add3A_196 : i32 to vector<16xi32>
      %add3A_198 = arith.addi %xor3A_182, %add3A_197 : vector<16xi32>
      %select_n3A_199 = arith.select %lt3A_195, %add3A_198, %xor3A_182 : vector<16xi1>, vector<16xi32>
      %broadcast_in_dim3A_200 = vector.shape_cast %select_n3A_199 : vector<16xi32> to vector<16x1xi32>
      %gather3A_201 = vector.shape_cast %broadcast_in_dim3A_200 : vector<16x1xi32> to vector<16xi32>
      %gather3A_202 = tpu.dynamic_gather %select_n3A_179[%gather3A_201] in [0] : vector<16xi32>, vector<16xi32> -> vector<16xi32>
      %gt3A_203 = arith.cmpf ogt, %gather3A_192, %select_n3A_178 : vector<16xf32>
      %eq3A_204 = arith.cmpf oeq, %gather3A_192, %select_n3A_178 : vector<16xf32>
      %lt3A_205 = arith.cmpi slt, %gather3A_202, %select_n3A_179 : vector<16xi32>
      %and3A_206 = arith.andi %eq3A_204, %lt3A_205 : vector<16xi1>
      %or3A_207 = arith.ori %gt3A_203, %and3A_206 : vector<16xi1>
      %select_n3A_208 = arith.select %or3A_207, %gather3A_192, %select_n3A_178 : vector<16xi1>, vector<16xf32>
      %select_n3A_209 = arith.select %or3A_207, %gather3A_202, %select_n3A_179 : vector<16xi1>, vector<16xi32>
      %xor3A_210 = arith.constant 1 : i32
      %xor3A_211 = vector.broadcast %xor3A_210 : i32 to vector<16xi32>
      %xor3A_212 = arith.xori %iota3A, %xor3A_211 : vector<16xi32>
      %lt3A_213 = arith.constant 0 : i32
      %lt3A_214 = vector.broadcast %lt3A_213 : i32 to vector<16xi32>
      %lt3A_215 = arith.cmpi slt, %xor3A_212, %lt3A_214 : vector<16xi32>
      %add3A_216 = arith.constant 16 : i32
      %add3A_217 = vector.broadcast %add3A_216 : i32 to vector<16xi32>
      %add3A_218 = arith.addi %xor3A_212, %add3A_217 : vector<16xi32>
      %select_n3A_219 = arith.select %lt3A_215, %add3A_218, %xor3A_212 : vector<16xi1>, vector<16xi32>
      %broadcast_in_dim3A_220 = vector.shape_cast %select_n3A_219 : vector<16xi32> to vector<16x1xi32>
      %gather3A_221 = vector.shape_cast %broadcast_in_dim3A_220 : vector<16x1xi32> to vector<16xi32>
      %gather3A_222 = tpu.dynamic_gather %select_n3A_208[%gather3A_221] in [0] : vector<16xf32>, vector<16xi32> -> vector<16xf32>
      %lt3A_223 = arith.constant 0 : i32
      %lt3A_224 = vector.broadcast %lt3A_223 : i32 to vector<16xi32>
      %lt3A_225 = arith.cmpi slt, %xor3A_212, %lt3A_224 : vector<16xi32>
      %add3A_226 = arith.constant 16 : i32
      %add3A_227 = vector.broadcast %add3A_226 : i32 to vector<16xi32>
      %add3A_228 = arith.addi %xor3A_212, %add3A_227 : vector<16xi32>
      %select_n3A_229 = arith.select %lt3A_225, %add3A_228, %xor3A_212 : vector<16xi1>, vector<16xi32>
      %broadcast_in_dim3A_230 = vector.shape_cast %select_n3A_229 : vector<16xi32> to vector<16x1xi32>
      %gather3A_231 = vector.shape_cast %broadcast_in_dim3A_230 : vector<16x1xi32> to vector<16xi32>
      %gather3A_232 = tpu.dynamic_gather %select_n3A_209[%gather3A_231] in [0] : vector<16xi32>, vector<16xi32> -> vector<16xi32>
      %gt3A_233 = arith.cmpf ogt, %gather3A_222, %select_n3A_208 : vector<16xf32>
      %eq3A_234 = arith.cmpf oeq, %gather3A_222, %select_n3A_208 : vector<16xf32>
      %lt3A_235 = arith.cmpi slt, %gather3A_232, %select_n3A_209 : vector<16xi32>
      %and3A_236 = arith.andi %eq3A_234, %lt3A_235 : vector<16xi1>
      %or3A_237 = arith.ori %gt3A_233, %and3A_236 : vector<16xi1>
      %select_n3A_238 = arith.select %or3A_237, %gather3A_222, %select_n3A_208 : vector<16xi1>, vector<16xf32>
      %select_n3A_239 = arith.select %or3A_237, %gather3A_232, %select_n3A_209 : vector<16xi1>, vector<16xi32>
      %and3A_240 = arith.constant 7 : i32
      %and3A_241 = arith.andi %arg1, %and3A_240 : i32
      %mul3A_242 = arith.constant 2 : i32
      %mul3A_243 = arith.muli %and3A_241, %mul3A_242 : i32
      %add3A_244 = arith.addi %mul3A_243, %scan3A_39 : i32
      %eq3A_245 = vector.broadcast %add3A_244 : i32 to vector<16xi32>
      %eq3A_246 = arith.cmpi eq, %iota3A, %eq3A_245 : vector<16xi32>
      %select_n3A_247 = arith.select %eq3A_246, %select_n3A_239, %scan3A_40 : vector<16xi1>, vector<16xi32>
      scf.yield %select_n3A_247 : vector<16xi32>
    }
    %scan3A_31 = arith.constant 2 : i32
    %swap3A = arith.constant 0 : index
    %swap3A_32 = tpu.vector_load %arg5[%swap3A] {strides = array<i32>} : memref<16xi32, #tpu.memory_space<vmem>>, vector<16xi32>,
    %swap3A_33 = vector.shape_cast %swap3A_32 : vector<16xi32> to vector<16xi32>
    %swap3A_34 = vector.shape_cast %scan3A_30 : vector<16xi32> to vector<16xi32>
    tpu.vector_store %arg5[%swap3A], %swap3A_34 {strides = array<i32>} : memref<16xi32, #tpu.memory_space<vmem>>, vector<16xi32>,
    %mul3A_35 = arith.constant 16 : i32
    %mul3A_36 = arith.muli %arg1, %mul3A_35 : i32
    "tpu.region"() ({
      %run_scoped3A = tpu.sem_alloc : memref<!tpu.dma_semaphore, #tpu.memory_space<semaphore_mem>>
      %dma_start3A_39 = tpu.memref_slice %arg8[%mul3A_36] : memref<256xi32, #tpu.memory_space<vmem_shared>> -> memref<16xi32, #tpu.memory_space<vmem_shared>>
      %dma_start3A_40 = tpu.memref_slice %arg8[%mul3A_36] : memref<256xi32, #tpu.memory_space<vmem_shared>> -> memref<16xi32, #tpu.memory_space<vmem_shared>>
      tpu.enqueue_dma source(%arg5 : memref<16xi32, #tpu.memory_space<vmem>>) target(%dma_start3A_40 : memref<16xi32, #tpu.memory_space<vmem_shared>>) target_semaphore(%run_scoped3A : memref<!tpu.dma_semaphore, #tpu.memory_space<semaphore_mem>>)
      %dma_wait3A = tpu.memref_slice %arg8[%mul3A_36] : memref<256xi32, #tpu.memory_space<vmem_shared>> -> memref<16xi32, #tpu.memory_space<vmem_shared>>
      %dma_wait3A_41 = tpu.memref_slice %arg8[%mul3A_36] : memref<256xi32, #tpu.memory_space<vmem_shared>> -> memref<16xi32, #tpu.memory_space<vmem_shared>>
      tpu.wait_dma2 semaphore(%run_scoped3A : memref<!tpu.dma_semaphore, #tpu.memory_space<semaphore_mem>>) src(%arg5 : memref<16xi32, #tpu.memory_space<vmem>>) dst(%dma_wait3A_41 : memref<16xi32, #tpu.memory_space<vmem_shared>>)
      tpu.yield
    }) : () -> ()
    %barrier3A = arith.constant 0 : index
    tpu.barrier barrier_id(%barrier3A)
    %eq3A = arith.constant 0 : i32
    %eq3A_37 = arith.cmpi eq, %arg1, %eq3A : i32
    %convert_element_type3A = arith.extui %eq3A_37 : i1 to i32
    %cond3A = arith.constant 0 : i32
    %cond3A_38 = arith.cmpi ne, %convert_element_type3A, %cond3A : i32
    scf.if %cond3A_38 {
      "tpu.region"() ({
        %run_scoped3A = tpu.sem_alloc : memref<!tpu.dma_semaphore, #tpu.memory_space<semaphore_mem>>
        tpu.enqueue_dma source(%arg8 : memref<256xi32, #tpu.memory_space<vmem_shared>>) target(%arg6 : memref<256xi32, #tpu.memory_space<vmem>>) target_semaphore(%run_scoped3A : memref<!tpu.dma_semaphore, #tpu.memory_space<semaphore_mem>>)
        tpu.wait_dma2 semaphore(%run_scoped3A : memref<!tpu.dma_semaphore, #tpu.memory_space<semaphore_mem>>) src(%arg8 : memref<256xi32, #tpu.memory_space<vmem_shared>>) dst(%arg6 : memref<256xi32, #tpu.memory_space<vmem>>)
        tpu.yield
      }) : () -> ()
      %get3A = arith.constant 0 : index
      %get3A_39 = tpu.vector_load %arg6[%get3A] {strides = array<i32>} : memref<256xi32, #tpu.memory_space<vmem>>, vector<16xi32>,
      %get3A_40 = vector.shape_cast %get3A_39 : vector<16xi32> to vector<16xi32>
      %get3A_41 = arith.constant 16 : index
      %get3A_42 = tpu.vector_load %arg6[%get3A_41] {strides = array<i32>} : memref<256xi32, #tpu.memory_space<vmem>>, vector<16xi32>,
      %get3A_43 = vector.shape_cast %get3A_42 : vector<16xi32> to vector<16xi32>
      %add3A_44 = arith.addi %get3A_40, %get3A_43 : vector<16xi32>
      %get3A_45 = arith.constant 32 : index
      %get3A_46 = tpu.vector_load %arg6[%get3A_45] {strides = array<i32>} : memref<256xi32, #tpu.memory_space<vmem>>, vector<16xi32>,
      %get3A_47 = vector.shape_cast %get3A_46 : vector<16xi32> to vector<16xi32>
      %add3A_48 = arith.addi %add3A_44, %get3A_47 : vector<16xi32>
      %get3A_49 = arith.constant 48 : index
      %get3A_50 = tpu.vector_load %arg6[%get3A_49] {strides = array<i32>} : memref<256xi32, #tpu.memory_space<vmem>>, vector<16xi32>,
      %get3A_51 = vector.shape_cast %get3A_50 : vector<16xi32> to vector<16xi32>
      %add3A_52 = arith.addi %add3A_48, %get3A_51 : vector<16xi32>
      %get3A_53 = arith.constant 64 : index
      %get3A_54 = tpu.vector_load %arg6[%get3A_53] {strides = array<i32>} : memref<256xi32, #tpu.memory_space<vmem>>, vector<16xi32>,
      %get3A_55 = vector.shape_cast %get3A_54 : vector<16xi32> to vector<16xi32>
      %add3A_56 = arith.addi %add3A_52, %get3A_55 : vector<16xi32>
      %get3A_57 = arith.constant 80 : index
      %get3A_58 = tpu.vector_load %arg6[%get3A_57] {strides = array<i32>} : memref<256xi32, #tpu.memory_space<vmem>>, vector<16xi32>,
      %get3A_59 = vector.shape_cast %get3A_58 : vector<16xi32> to vector<16xi32>
      %add3A_60 = arith.addi %add3A_56, %get3A_59 : vector<16xi32>
      %get3A_61 = arith.constant 96 : index
      %get3A_62 = tpu.vector_load %arg6[%get3A_61] {strides = array<i32>} : memref<256xi32, #tpu.memory_space<vmem>>, vector<16xi32>,
      %get3A_63 = vector.shape_cast %get3A_62 : vector<16xi32> to vector<16xi32>
      %add3A_64 = arith.addi %add3A_60, %get3A_63 : vector<16xi32>
      %get3A_65 = arith.constant 112 : index
      %get3A_66 = tpu.vector_load %arg6[%get3A_65] {strides = array<i32>} : memref<256xi32, #tpu.memory_space<vmem>>, vector<16xi32>,
      %get3A_67 = vector.shape_cast %get3A_66 : vector<16xi32> to vector<16xi32>
      %add3A_68 = arith.addi %add3A_64, %get3A_67 : vector<16xi32>
      %swap3A_69 = arith.constant 0 : index
      %swap3A_70 = tpu.vector_load %arg7[%swap3A_69] {strides = array<i32>} : memref<32xi32, #tpu.memory_space<vmem>>, vector<16xi32>,
      %swap3A_71 = vector.shape_cast %swap3A_70 : vector<16xi32> to vector<16xi32>
      %swap3A_72 = vector.shape_cast %add3A_68 : vector<16xi32> to vector<16xi32>
      tpu.vector_store %arg7[%swap3A_69], %swap3A_72 {strides = array<i32>} : memref<32xi32, #tpu.memory_space<vmem>>, vector<16xi32>,
      %get3A_73 = arith.constant 128 : index
      %get3A_74 = tpu.vector_load %arg6[%get3A_73] {strides = array<i32>} : memref<256xi32, #tpu.memory_space<vmem>>, vector<16xi32>,
      %get3A_75 = vector.shape_cast %get3A_74 : vector<16xi32> to vector<16xi32>
      %get3A_76 = arith.constant 144 : index
      %get3A_77 = tpu.vector_load %arg6[%get3A_76] {strides = array<i32>} : memref<256xi32, #tpu.memory_space<vmem>>, vector<16xi32>,
      %get3A_78 = vector.shape_cast %get3A_77 : vector<16xi32> to vector<16xi32>
      %add3A_79 = arith.addi %get3A_75, %get3A_78 : vector<16xi32>
      %get3A_80 = arith.constant 160 : index
      %get3A_81 = tpu.vector_load %arg6[%get3A_80] {strides = array<i32>} : memref<256xi32, #tpu.memory_space<vmem>>, vector<16xi32>,
      %get3A_82 = vector.shape_cast %get3A_81 : vector<16xi32> to vector<16xi32>
      %add3A_83 = arith.addi %add3A_79, %get3A_82 : vector<16xi32>
      %get3A_84 = arith.constant 176 : index
      %get3A_85 = tpu.vector_load %arg6[%get3A_84] {strides = array<i32>} : memref<256xi32, #tpu.memory_space<vmem>>, vector<16xi32>,
      %get3A_86 = vector.shape_cast %get3A_85 : vector<16xi32> to vector<16xi32>
      %add3A_87 = arith.addi %add3A_83, %get3A_86 : vector<16xi32>
      %get3A_88 = arith.constant 192 : index
      %get3A_89 = tpu.vector_load %arg6[%get3A_88] {strides = array<i32>} : memref<256xi32, #tpu.memory_space<vmem>>, vector<16xi32>,
      %get3A_90 = vector.shape_cast %get3A_89 : vector<16xi32> to vector<16xi32>
      %add3A_91 = arith.addi %add3A_87, %get3A_90 : vector<16xi32>
      %get3A_92 = arith.constant 208 : index
      %get3A_93 = tpu.vector_load %arg6[%get3A_92] {strides = array<i32>} : memref<256xi32, #tpu.memory_space<vmem>>, vector<16xi32>,
      %get3A_94 = vector.shape_cast %get3A_93 : vector<16xi32> to vector<16xi32>
      %add3A_95 = arith.addi %add3A_91, %get3A_94 : vector<16xi32>
      %get3A_96 = arith.constant 224 : index
      %get3A_97 = tpu.vector_load %arg6[%get3A_96] {strides = array<i32>} : memref<256xi32, #tpu.memory_space<vmem>>, vector<16xi32>,
      %get3A_98 = vector.shape_cast %get3A_97 : vector<16xi32> to vector<16xi32>
      %add3A_99 = arith.addi %add3A_95, %get3A_98 : vector<16xi32>
      %get3A_100 = arith.constant 240 : index
      %get3A_101 = tpu.vector_load %arg6[%get3A_100] {strides = array<i32>} : memref<256xi32, #tpu.memory_space<vmem>>, vector<16xi32>,
      %get3A_102 = vector.shape_cast %get3A_101 : vector<16xi32> to vector<16xi32>
      %add3A_103 = arith.addi %add3A_99, %get3A_102 : vector<16xi32>
      %swap3A_104 = arith.constant 16 : index
      %swap3A_105 = tpu.vector_load %arg7[%swap3A_104] {strides = array<i32>} : memref<32xi32, #tpu.memory_space<vmem>>, vector<16xi32>,
      %swap3A_106 = vector.shape_cast %swap3A_105 : vector<16xi32> to vector<16xi32>
      %swap3A_107 = vector.shape_cast %add3A_103 : vector<16xi32> to vector<16xi32>
      tpu.vector_store %arg7[%swap3A_104], %swap3A_107 {strides = array<i32>} : memref<32xi32, #tpu.memory_space<vmem>>, vector<16xi32>,
      "tpu.region"() ({
        %run_scoped3A = tpu.sem_alloc : memref<!tpu.dma_semaphore, #tpu.memory_space<semaphore_mem>>
        %dma_start3A_108 = arith.constant 0 : i32
        %dma_start3A_109 = tpu.memref_slice %arg3[%arg0, %dma_start3A_108] : memref<2x32xi32, #tpu.memory_space<hbm>> -> memref<1x32xi32, #tpu.memory_space<hbm>>
        %dma_start3A_110 = tpu.memref_squeeze %dma_start3A_109 : memref<1x32xi32, #tpu.memory_space<hbm>> -> memref<32xi32, #tpu.memory_space<hbm>>
        %dma_start3A_111 = arith.constant 0 : i32
        %dma_start3A_112 = tpu.memref_slice %arg3[%arg0, %dma_start3A_111] : memref<2x32xi32, #tpu.memory_space<hbm>> -> memref<1x32xi32, #tpu.memory_space<hbm>>
        %dma_start3A_113 = tpu.memref_squeeze %dma_start3A_112 : memref<1x32xi32, #tpu.memory_space<hbm>> -> memref<32xi32, #tpu.memory_space<hbm>>
        tpu.enqueue_dma source(%arg7 : memref<32xi32, #tpu.memory_space<vmem>>) target(%dma_start3A_113 : memref<32xi32, #tpu.memory_space<hbm>>) target_semaphore(%run_scoped3A : memref<!tpu.dma_semaphore, #tpu.memory_space<semaphore_mem>>)
        %dma_wait3A = arith.constant 0 : i32
        %dma_wait3A_114 = tpu.memref_slice %arg3[%arg0, %dma_wait3A] : memref<2x32xi32, #tpu.memory_space<hbm>> -> memref<1x32xi32, #tpu.memory_space<hbm>>
        %dma_wait3A_115 = tpu.memref_squeeze %dma_wait3A_114 : memref<1x32xi32, #tpu.memory_space<hbm>> -> memref<32xi32, #tpu.memory_space<hbm>>
        %dma_wait3A_116 = arith.constant 0 : i32
        %dma_wait3A_117 = tpu.memref_slice %arg3[%arg0, %dma_wait3A_116] : memref<2x32xi32, #tpu.memory_space<hbm>> -> memref<1x32xi32, #tpu.memory_space<hbm>>
        %dma_wait3A_118 = tpu.memref_squeeze %dma_wait3A_117 : memref<1x32xi32, #tpu.memory_space<hbm>> -> memref<32xi32, #tpu.memory_space<hbm>>
        tpu.wait_dma2 semaphore(%run_scoped3A : memref<!tpu.dma_semaphore, #tpu.memory_space<semaphore_mem>>) src(%arg7 : memref<32xi32, #tpu.memory_space<vmem>>) dst(%dma_wait3A_118 : memref<32xi32, #tpu.memory_space<hbm>>)
        tpu.yield
      }) : () -> ()
    } else {
    }
    return
  }
}

module attributes {stable_mosaic.version = 14 : i64} {
  func.func @_argmax_tc_body(%arg0: i32, %arg1: memref<8x32768xf32, #tpu.memory_space<vmem>>, %arg2: memref<1x1x8xi32, #tpu.memory_space<vmem>>) attributes {dimension_semantics = [#tpu.dimension_semantics<arbitrary>], iteration_bounds = array<i64: 8>, scalar_prefetch = 0 : i64, scratch_operands = 0 : i64, tpu.core_type = #tpu.core_type<tc>, window_params = [{transform_indices = @transform_0, window_bounds = array<i64: 8, 32768>}, {transform_indices = @transform_1, window_bounds = array<i64: 1, 1, 8>}]} {
    %get3A = arith.constant 0 : index
    %get3A_0 = arith.constant 0 : index
    %get3A_1 = vector.load %arg1[%get3A, %get3A_0] : memref<8x32768xf32, #tpu.memory_space<vmem>>, vector<8x32768xf32>
    %reduce_max3A = arith.constant dense<0xFF800000> : vector<8xf32>
    %reduce_max3A_2 = vector.multi_reduction <maximumf>, %get3A_1, %reduce_max3A [1] : vector<8x32768xf32> to vector<8xf32>
    %broadcast_in_dim3A = vector.shape_cast %reduce_max3A_2 : vector<8xf32> to vector<8x1xf32>
    %iota3A = tpu.iota {dimensions = array<i32: 1>} : vector<8x32768xi32>
    %eq3A = vector.broadcast %broadcast_in_dim3A : vector<8x1xf32> to vector<8x32768xf32>
    %eq3A_3 = arith.cmpf oeq, %get3A_1, %eq3A : vector<8x32768xf32>
    %jit3A = arith.constant 2147483647 : i32
    %broadcast_in_dim3A_4 = vector.broadcast %jit3A : i32 to vector<8x32768xi32>
    %select_n3A = arith.select %eq3A_3, %iota3A, %broadcast_in_dim3A_4 : vector<8x32768xi1>, vector<8x32768xi32>
    %reduce_min3A = arith.constant dense<2147483647> : vector<8xi32>
    %reduce_min3A_5 = vector.multi_reduction <minsi>, %select_n3A, %reduce_min3A [1] : vector<8x32768xi32> to vector<8xi32>
    %reshape3A = vector.shape_cast %reduce_min3A_5 : vector<8xi32> to vector<1x1x8xi32>
    %swap3A = arith.constant 0 : index
    %swap3A_6 = arith.constant 0 : index
    %swap3A_7 = arith.constant 0 : index
    %swap3A_8 = vector.load %arg2[%swap3A, %swap3A_6, %swap3A_7] : memref<1x1x8xi32, #tpu.memory_space<vmem>>, vector<1x1x8xi32>
    tpu.vector_store %arg2[%swap3A, %swap3A_6, %swap3A_7], %reshape3A {strides = array<i32>} : memref<1x1x8xi32, #tpu.memory_space<vmem>>, vector<1x1x8xi32>,
    return
  }
  func.func @transform_0(%arg0: i32) -> (i32, i32) {
    %c0_i32 = arith.constant 0 : i32
    %c0_i32_0 = arith.constant 0 : i32
    return %arg0, %c0_i32 : i32, i32
  }
  func.func @transform_1(%arg0: i32) -> (i32, i32, i32) {
    %c0_i32 = arith.constant 0 : i32
    %c0_i32_0 = arith.constant 0 : i32
    %c0_i32_1 = arith.constant 0 : i32
    return %arg0, %c0_i32, %c0_i32_0 : i32, i32, i32
  }
}

</mosaic_0001>

<sc_bundles>
// kernel: kernel.4.cloned.1.call-start
scs
__scs_entry_jumppad:
0x0: {  	(pc) =	sbr.rel $0x88, $3  }
0x1: {  	(tag) =	ssettag $0x0;
	lr =	simm.s32 $0x1  }
0x2: {  	[smem:$0x3FA0] =	sst lr;
	_ =	strace $0xD0000000  }
0x3: {  	_ = 	snop  }
0x4: {  	_ = 	snop  }
0x5: {  	_ = 	snop  }
0x6: {  	_ = 	snop  }
0x7: {  	_ = 	snop  }
__scs_overlays_trampoline_lowered:
0x8: {  	[smem:$0x3FAF] =	sst s0  }
0x9: {  	[smem:$0x3FB0] =	sst s1  }
0xa: {  	[smem:$0x3FB1] =	sst s2  }
0xb: {  	[smem:$0x3FB2] =	sst s3  }
0xc: {  	[smem:$0x3FB3] =	sst s4  }
0xd: {  	[smem:$0x3FB4] =	sst s5  }
0xe: {  	[smem:$0x3FB5] =	sst s6  }
0xf: {  	[smem:$0x3FB6] =	sst s7  }
0x10: {  	[smem:$0x3FB7] =	sst s8  }
0x11: {  	[smem:$0x3FB8] =	sst s9;
	s0 =	simm.s32 @!p0 $0x0  }
0x12: {  	s1 =	sld [smem:$0x3F9E];
	s0 =	simm.s32 @p0 $0x1  }
0x13: {  	[smem:$0x3FB9] =	sst s0;
	s0 =	simm.s32 @!p1 $0x0  }
0x14: {  	s2 =	sld [smem:$0x3F9D];
	s0 =	simm.s32 @p1 $0x1  }
0x15: {  	[smem:$0x3FBA] =	sst s0;
	s0 =	simm.s32 @!p2 $0x0  }
0x16: {  	s3 =	sld [smem:$0x3FDB];
	s0 =	simm.s32 @p2 $0x1  }
0x17: {  	s4 =	simm.s32 $0x1BF5;
	[smem:$0x3FBC] =	sst s0  }
0x18: {  	s0 =	sld [smem:$0x3F9F];
	_ =	swait.ge [sflag:s4], $0x0  }
0x19: {  	s7 =	sld [smem:$0x3FA0]  }
0x1a: {  	s8 =	sadd.s32 $0xFFFFE003, lr  }
0x1b: {  	s9 =	sadd.s32 $0xFFFFFEF7, lr;
	s5 =	simm.s32 $0xFFFFFFFF;
	p2 =	slt.u32 s8, $0xFFFFF086  }
0x1c: {  	p1 =	slt.u32 s9, $0xF7A;
	s5 =	simm.s32 @!p2 $0x0  }
0x1d: {  	s5 =	simm.s32 @p1 $0x1;
	p0 =	seq.s32 s7, s2  }
0x1e: {  	s7 =	smul.u32 @!p0 $0xF7A, s2;
	p2 =	seq.s32 @!p0 s5, $0x0  }
0x1f: {  	s9 =	smul.u32 $0xF7A, s1;
	s8 =	simm.s32 @!p0 $0x1BF5;
	p2 =	por !p2, p0  }
0x20: {  	[sflag:s8] =	ssyncset.s32 @!p0 $0xFFFFF086;
	s6 =	sadd.s32 @!p0 s3, s7;
	s7 =	simm.s32 @!p0 $0x108  }
0x21: {  	s3 =	sadd.s32 s3, s9;
	s6 =	sadd.s32 @!p0 $0x88, s6;
	s7 =	simm.s32 @p2 $0x1082  }
0x22: {  	[simem:s7], [sflag:s8] =	dma.local @!p0 [hbm:s6], $0xF7A  }
0x23: {  	s9 =	sor.u32 $0xD0000000, s2;
	s6 =	simm.s32 $0x108;
	_ =	swait.ge @!p0 [sflag:s8], $0x0  }
0x24: {  	s3 =	sadd.s32 $0x88, s3;
	s6 =	simm.s32 @!p1 $0x1082;
	[sflag:s4] =	ssyncset.s32 $0xFFFFF086  }
0x25: {  	[simem:s6], [sflag:s4] =	dma.local [hbm:s3], $0xF7A  }
0x26: {  	[smem:$0x3FA0] =	sst s1;
	(tag) =	ssettag s2;
	_ =	strace s9  }
0x27: {  	s1 =	sld [smem:$0x3FB0]  }
0x28: {  	s2 =	sld [smem:$0x3FB1]  }
0x29: {  	s4 =	sld [smem:$0x3FB3]  }
0x2a: {  	p0 =	seq.s32 s5, $0x0;
	s5 =	sld [smem:$0x3FB4]  }
0x2b: {  	s6 =	sld [smem:$0x3FB5]  }
0x2c: {  	s7 =	sld [smem:$0x3FB6]  }
0x2d: {  	s3 =	simm.s32 $0x108;
	s8 =	sld [smem:$0x3FB7]  }
0x2e: {  	s3 =	simm.s32 @!p0 $0x1082;
	s9 =	sld [smem:$0x3FB8]  }
0x2f: {  	lr =	sadd.s32 s0, s3;
	s0 =	sld [smem:$0x3FAF]  }
0x30: {  	s3 =	sld [smem:$0x3FB2]  }
0x31: {  	[smem:$0x3FBB] =	sst s10  }
0x32: {  	s10 =	sld [smem:$0x3FB9];
	_ =	sdelay $0x3  }
0x33: {  	p0 =	seq.s32 s10, $0x1;
	s10 =	sld [smem:$0x3FBB];
	_ =	sdelay $0x3  }
0x34: {  	[smem:$0x3FBB] =	sst s10  }
0x35: {  	s10 =	sld [smem:$0x3FBA];
	_ =	sdelay $0x3  }
0x36: {  	p1 =	seq.s32 s10, $0x1;
	s10 =	sld [smem:$0x3FBB];
	_ =	sdelay $0x3  }
0x37: {  	[smem:$0x3FBB] =	sst s10  }
0x38: {  	s10 =	sld [smem:$0x3FBC]  }
0x39: {  	_ = 	snop;
	(pc) =	sbr.ind lr, $3  }
0x3a: {  	_ = 	snop  }
0x3b: {  	_ = 	snop  }
0x3c: {  	p2 =	seq.s32 s10, $0x1;
	s10 =	sld [smem:$0x3FBB]  }
0x3d: {  	_ =	shalt  }
0x3e: {  	_ =	shalt  }
0x3f: {  	_ =	shalt  }
0x40: {  	_ =	shalt  }
0x41: {  	_ =	shalt  }
0x42: {  	_ =	shalt  }
0x43: {  	_ =	shalt  }
0x44: {  	_ =	shalt  }
0x45: {  	_ =	shalt  }
0x46: {  	_ =	shalt  }
0x47: {  	_ =	shalt  }
0x48: {  	_ =	shalt  }
0x49: {  	_ =	shalt  }
0x4a: {  	_ =	shalt  }
0x4b: {  	_ =	shalt  }
0x4c: {  	_ =	shalt  }
0x4d: {  	_ =	shalt  }
0x4e: {  	_ =	shalt  }
0x4f: {  	_ =	shalt  }
0x50: {  	_ =	shalt  }
0x51: {  	_ =	shalt  }
0x52: {  	_ =	shalt  }
0x53: {  	_ =	shalt  }
0x54: {  	_ =	shalt  }
0x55: {  	_ =	shalt  }
0x56: {  	_ =	shalt  }
0x57: {  	_ =	shalt  }
0x58: {  	_ =	shalt  }
0x59: {  	_ =	shalt  }
0x5a: {  	_ =	shalt  }
0x5b: {  	_ =	shalt  }
0x5c: {  	_ =	shalt  }
0x5d: {  	_ =	shalt  }
0x5e: {  	_ =	shalt  }
0x5f: {  	_ =	shalt  }
0x60: {  	_ =	shalt  }
0x61: {  	_ =	shalt  }
0x62: {  	_ =	shalt  }
0x63: {  	_ =	shalt  }
0x64: {  	_ =	shalt  }
0x65: {  	_ =	shalt  }
0x66: {  	_ =	shalt  }
0x67: {  	_ =	shalt  }
0x68: {  	_ =	shalt  }
0x69: {  	_ =	shalt  }
0x6a: {  	_ =	shalt  }
0x6b: {  	_ =	shalt  }
0x6c: {  	_ =	shalt  }
0x6d: {  	_ =	shalt  }
0x6e: {  	_ =	shalt  }
0x6f: {  	_ =	shalt  }
0x70: {  	_ =	shalt  }
0x71: {  	_ =	shalt  }
0x72: {  	_ =	shalt  }
0x73: {  	_ =	shalt  }
0x74: {  	_ =	shalt  }
0x75: {  	_ =	shalt  }
0x76: {  	_ =	shalt  }
0x77: {  	_ =	shalt  }
0x78: {  	_ =	shalt  }
0x79: {  	_ =	shalt  }
0x7a: {  	_ =	shalt  }
0x7b: {  	_ =	shalt  }
0x7c: {  	_ =	shalt  }
0x7d: {  	_ =	shalt  }
0x7e: {  	_ =	shalt  }
0x7f: {  	_ =	shalt  }
0x80: {  	_ =	shalt  }
0x81: {  	_ =	shalt  }
0x82: {  	_ =	shalt  }
0x83: {  	_ =	shalt  }
0x84: {  	_ =	shalt  }
0x85: {  	_ =	shalt  }
0x86: {  	_ =	shalt  }
0x87: {  	_ =	shalt  }
.Lfunc_end0:
.L_simem_size_0:
called_computation_lowered:
.L_overlay_start_0:
0x88: {  	s2 =	sld [smem:$0x3FD9]  }
0x89: {  	s3 =	sld [smem:$0x3FFE];
	_ =	sdelay $0x1  }
0x8a: {  	s1 =	srdreg.scid  }
0x8b: {  	s0 =	sand.u32 $0x1, s1  }
0x8c: {  	s17 =	sshll.u32 s0, $0xA;
	s2 =	sadd.s32 s3, s2  }
0x8d: {  	s2 =	sadd.s32 s2, s17  }
0x8e: {  	[smem:$0x3FC7] =	sst s2  }
0x8f: {  	_ = 	snop  }
0x90: {  	s2 =	sld [smem:$0x3FC9];
	(tm) =	ssettm $0x1  }
0x91: {  	s18 =	sld [smem:$0x3FFB];
	_ =	sdelay $0x3  }
0x92: {  	_ =	strace s18  }
0x93: {  	s3 =	sld [smem:$0x3FFC];
	_ =	sdelay $0x3  }
0x94: {  	_ =	strace s3  }
0x95: {  	s3 =	sld [smem:$0x3FFD];
	_ =	sdelay $0x3  }
0x96: {  	_ =	strace s3  }
0x97: {  	_ =	strace $0x8FFFFFFF  }
0x98: {  	s19 =	sld [smem:$0x3FDB];
	_ =	sdelay $0x1  }
0x99: {  	s4 =	simm.s32 $_scs_section_size  }
0x9a: {  	s5 =	simm.s32 $_size__tile_overlayer_lowered;
	s6 =	simm.s32 $_tile_overlayer_lowered  }
0x9b: {  	s22 =	simm.s32 $0x1BFF;
	s21 =	sshll.u32 s6, $0x1;
	s3 =	sadd.s32 s4, s19  }
0x9c: {  	s7 =	simm.s32 $0x0;
	s20 =	sshll.u32 s5, $0x1;
	s5 =	sadd.s32 s21, s3  }
0x9d: {  	[timem:s7], [sflag:s22] =	dma.local [hbm:s5], s20  }
0x9e: {  	_ =	swait.ge [sflag:s22], s20  }
0x9f: {  	s4 =	ssub.s32 $0x0, s20;
	[sflag:s22] =	ssyncset.done $0x0  }
0xa0: {  	[sflag:s22] =	ssyncadd.s32 s4;
	_ =	sdelay $0x1  }
0xa1: {  	s23 =	simm.s32 $0x1B8B  }
0xa2: {  	_ =	swait.ge [sflag:s23], $0x1  }
0xa3: {  	[sflag:s23] =	ssyncset.done $0x0  }
0xa4: {  	s25 =	simm.s32 $0x1B8E;
	s24 =	sld [smem:$0x3FFE];
	[sflag:s23] =	ssyncadd.s32 $0xFFFFFFFF  }
0xa5: {  	s26 =	simm.s32 $execute0_lowered;
	[smem:$0x3FD2] =	sst s25  }
0xa6: {  	s5 =	sshll.u32 s26, $0x1;
	_ =	strace $0x80000046;
	[dreg:$0x1] =	wrdreg $0xFFFFFFFF  }
0xa7: {  	s28 =	simm.s32 $_size_execute0_lowered;
	s3 =	sadd.s32 s3, s5;
	[dreg:$0x0] =	wrdreg $0x0  }
0xa8: {  	s5 =	sshll.u32 s28, $0x1;
	[dreg:$0x2] =	wrdreg s3  }
0xa9: {  	[dreg:$0x3] =	wrdreg s5  }
0xaa: {  	[dreg:$0x4] =	wrdreg $0xC0  }
0xab: {  	_ =	task [dreg:s7], $0x5FFFF  }
0xac: {  	[dreg:$0x1] =	wrdreg $0xFFFFFFFF  }
0xad: {  	[dreg:$0x0] =	wrdreg $0x60  }
0xae: {  	[dreg:$0x2] =	wrdreg s2  }
0xaf: {  	[dreg:$0x3] =	wrdreg s24  }
0xb0: {  	[dreg:$0x4] =	wrdreg $0x102000  }
0xb1: {  	[dreg:$0x5] =	wrdreg $0x9  }
0xb2: {  	_ =	task.clear_ibuf [dreg:s7], $0x6FFFF;
	_ =	strace $0x90000046  }
0xb3: {  	s29 =	simm.s32 $0x9;
	_ =	strace $0x80000048  }
0xb4: {  	_ =	swait.ge [sflag:s29], $0x1  }
0xb5: {  	[sflag:s29] =	ssyncadd.s32 $0xFFFFFFFF  }
0xb6: {  	_ =	strace $0x90000048  }
0xb7: {  	_ =	sfence  }
0xb8: {  	s30 =	sld [smem:$0x0];
	_ =	sdelay $0x2  }
0xb9: {  	s31 =	sshll.u32 s1, $0xD;
	s1 =	sshrl.u32 s1, $0x2  }
0xba: {  	s3 =	sand.u32 $0x4000, s31;
	s1 =	sadd.s32 s1, s30  }
0xbb: {  	s0 =	sor.u32 s3, s0;
	s1 =	sshll.u32 s1, $0x11  }
0xbc: {  	s0 =	sor.u32 s1, s0  }
0xbd: {  	s0 =	sadd.s32 $0x8F2B, s0  }
0xbe: {  	[sflag:s0] =	ssyncadd.remote.s32 $0x1  }
0xbf: {  	_ =	sfence.sel $0xFFFF  }
0xc0: {  	[dreg:$0x0] =	wrdreg $0xFFFFFFFF;
	(pc) =	sbr.abs _section_cstart, $3  }
0xc1: {  	[dreg:$0x1] =	wrdreg $0xFFFFFFFF  }
0xc2: {  	_ =	task.clear_ibuf [dreg:s7], $0x2FFFF;
	_ =	strace $0x9FFFFFFF  }
0xc3: {  	(tm) =	ssettm $0x7FFFFFFF  }
tec
execute0_lowered:
.L_overlay_start_1:
0x0: {  	(tag) =	ssettag $0x1  }
0x1: {  	s3 =	rddreg [dreg:$0x0]  }
0x2: {  	s4 =	rddreg [dreg:$0x1]  }
0x3: {  	s1 =	rddreg [dreg:$0x2];
	v0 =	vimm.s32 $0xFEDCBA98  }
0x4: {  	s0 =	rddreg [dreg:$0x3];
	s2 =	simm.s32 $0x0;
	v2 =	vimm.s32 $0x76543210;
	v4 =	vimm.s32 $0x32107654;
	v5 =	vimm.s32 $0xDCFE98BA  }
0x5: {  	s12 =	stileid.u32;
	s5 =	srdreg.scid;
	v6 =	vimm.s32 $0x54761032;
	v7 =	vimm.s32 $0xEFCDAB89;
	s10 =	simm.s32 $0x400  }
0x6: {  	v8 =	vimm.s32 $0x67452301;
	s11 =	simm.s32 $0x8000;
	s13 =	simm.s32 $0x3;
	s14 =	simm.s32 $0x0;
	v1 =	vunpack.c.l.s4.s8 v0;
	v0 =	vlaneseq.u32  }
0x7: {  	[smem:$0x7FF] =	sst s2;
	s6 =	sshll.u32 s12, $0xD;
	s5 =	sand.u32 $0x1, s5;
	v5 =	vunpack.c.l.s4.s8 v5;
	v6 =	vunpack.c.l.s4.s8 v6;
	v7 =	vunpack.c.l.s4.s8 v7  }
0x8: {  	s8 =	sshll.u32 s12, $0x5;
	v8 =	vunpack.c.l.s4.s8 v8;
	s30 =	sshll.u32 s12, $0x1;
	s31 =	sshll.u32 s12, $0x4;
	v3 =	vunpack.c.0.s8.s32 v1;
	v1 =	vimm.s32 $0xBA98FEDC  }
0x9: {  	v4 =	vunpack.c.l.s4.s8 v4;
	p0 =	sne.s32 s12, $0x0;
	s12 =	simm.s32 $0x10000;
	_ =	strace $0x80000047;
	v5 =	vunpack.c.0.s8.s32 v5;
	v1 =	vunpack.c.l.s4.s8 v1  }
0xa: {  	s7 =	sshll.u32 s5, $0x11;
	s6 =	sand.u32 $0x18000, s6;
	s9 =	ssub.s32 $0x2, s5;
	v6 =	vunpack.c.0.s8.s32 v6;
	v7 =	vunpack.c.0.s8.s32 v7;
	v8 =	vunpack.c.0.s8.s32 v8  }
0xb: {  	v2 =	vunpack.c.l.s4.s8 v2;
	s25 =	sand.u32 $0x60, s8;
	s5 =	sshll.u32 s5, $0x4;
	s6 =	sor.u32 s7, s6;
	v4 =	vunpack.c.0.s8.s32 v4;
	v1 =	vunpack.c.0.s8.s32 v1  }
0xc: {  	s26 =	sshrl.u32 s9, $0x1;
	s28 =	sadd.s32 s5, s4;
	s5 =	sand.u32 $0xE, s30;
	v10 =	vand.u32 $0xF, v3;
	v6 =	vcombine.low v6, v5;
	v7 =	vcombine.low v8, v7  }
0xd: {  	s6 =	sor.u32 s25, s6;
	s8 =	ssub.s32 s9, s26;
	s7 =	sadd.s32 $0x200, s28;
	v3 =	vor.u32 $0x30, v0;
	v9 =	vcombine.low v4, v1;
	v4 =	vunpack.c.0.s8.s32 v2  }
0xe: {  	s9 =	simm.s32 $0x80;
	s29 =	sadd.s32 s6, s3;
	s6 =	sadd.s32 s31, s1;
	v6 =	vand.u32 $0xF, v6;
	v7 =	vand.u32 $0xF, v7;
	v1 =	vor.u32 $0x10, v0  }
0xf: {  	s8 =	smax.u32 s8, $0x1;
	s3 =	sadd.s32 $0x40000, s29;
	s4 =	sadd.s32 $0x40010, s29;
	v2 =	vor.u32 $0x20, v0;
	v4 =	vcombine.low v10, v4;
	v5 =	vand.u32 $0xF, v9  }
.LBB2_1:
0x10: {  	[tilespmem:s2], [sflag:$0x1] =	stream.strided.gather [hbm4b:s3+s9], $0x8000, s10, s9, $0x38;
	[tilespmem:$0x10210] =	vst v63  }
0x11: {  	p2 =	por $0x1, $0x1;
	s15 =	simm.s32 $0x0  }
0x12: {  	v9 =	vimm.s32 $0x0;
	v8 =	vimm.s32 $0x0;
	[tilespmem:s11], [sflag:$0x2] =	stream.strided.gather [hbm4b:s4+s9], $0x8000, s10, s9, $0x38;
	[tilespmem:$0x10210] =	vst v63  }
.LBB2_2:
0x13: {  	s16 =	sand.u32 $0x1, s15  }
0x14: {  	p1 =	seq.s32 s16, $0x1;
	s16 =	simm.s32 $0x2  }
0x15: {  	s16 =	simm.s32 @!p1 $0x1  }
0x16: {  	s17 =	sshll.u32 s15, $0xF;
	_ =	swait.ge [sflag:s16], $0x8000  }
0x17: {  	s18 =	sand.u32 $0x3FFF8000, s17;
	[sflag:s16] =	ssyncset.done $0x0  }
0x18: {  	s20 =	sor.u32 $0x80, s18;
	[sflag:s16] =	ssyncadd.s32 $0xFFFF8000  }
0x19: {  	v10 =	vld [tilespmem:s20+$0x40]  }
0x1a: {  	v11 =	vld [tilespmem:s20+$0xFFFFFF80]  }
0x1b: {  	v12 =	vld [tilespmem:s20+$0x0]  }
0x1c: {  	v13 =	vld [tilespmem:s20+$0xFFFFFFC0]  }
0x1d: {  	v14 =	vld [tilespmem:s20+$0x10]  }
0x1e: {  	v16 =	vld [tilespmem:s20+$0x20]  }
0x1f: {  	v15 =	vimm.f32 $-Inf;
	s21 =	sor.u32 $0xC0, s17;
	v17 =	vld [tilespmem:s20+$0xFFFFFF90]  }
0x20: {  	s17 =	sadd.s32 $0xFFFFFF80, s21;
	v18 =	vld [tilespmem:s20+$0xFFFFFFA0];
	vm0 =	vgt.f32 v11, v15  }
0x21: {  	s29 =	sor.u32 $0x60, s17;
	v19 =	vld [tilespmem:s20+$0xFFFFFFB0];
	v11 =	vsel vm0, v11, v15  }
0x22: {  	s28 =	sor.u32 $0x50, s17;
	s17 =	sor.u32 $0x70, s17;
	v21 =	vld [tilespmem:s29+$0x0];
	vm1 =	vgt.f32 v13, v11  }
0x23: {  	s19 =	simm.s32 $0x0;
	v22 =	vld [tilespmem:s17+$0x0];
	v11 =	vsel vm1, v13, v11  }
0x24: {  	s30 =	sor.u32 $0x60, s21;
	s16 =	simm.s32 $0x1;
	v20 =	vsel vm0, s19, v9;
	v13 =	vld [tilespmem:s28+$0x0];
	vm0 =	vgt.f32 v12, v11  }
0x25: {  	s18 =	simm.s32 $0x2;
	v24 =	vld [tilespmem:s30+$0x0];
	v20 =	vsel vm1, s16, v20;
	v11 =	vsel vm0, v12, v11  }
0x26: {  	s17 =	simm.s32 $0x3;
	v12 =	vsel vm0, s18, v20;
	v20 =	vld [tilespmem:s20+$0x30];
	s20 =	sadd.s32 $0x100, s20;
	vm0 =	vgt.f32 v10, v11  }
0x27: {  	s22 =	sor.u32 $0x50, s21;
	v25 =	vld [tilespmem:s20+$0xFFFFFF80];
	v23 =	vsel vm0, v10, v11;
	v12 =	vsel vm0, s17, v12;
	vm0 =	vgt.f32 v17, v15  }
0x28: {  	s31 =	sor.u32 $0x70, s21;
	vm5 =	vgt.f32 v18, v15;
	vm6 =	vgt.f32 v19, v15;
	v11 =	vld [tilespmem:s22+$0x0];
	v10 =	vsel vm0, v17, v15  }
0x29: {  	v17 =	vsel vm5, v18, v15;
	v15 =	vsel vm6, v19, v15;
	v19 =	vld [tilespmem:s31+$0x0];
	vm1 =	vgt.f32 v13, v10  }
0x2a: {  	vm7 =	vgt.f32 v21, v17;
	vm8 =	vgt.f32 v22, v15;
	v10 =	vsel vm1, v13, v10  }
0x2b: {  	v13 =	vld [tilespmem:s20+$0x40];
	v17 =	vsel vm7, v21, v17;
	v15 =	vsel vm8, v22, v15;
	vm2 =	vgt.f32 v14, v10  }
0x2c: {  	v22 =	vld [tilespmem:s20+$0xFFFFFFC0];
	vm9 =	vgt.f32 v16, v17;
	vm10 =	vgt.f32 v20, v15;
	vm4 =	vgt.f32 v25, v23  }
0x2d: {  	v21 =	vld [tilespmem:s20+$0x0];
	v14 =	vsel vm2, v14, v10;
	v16 =	vsel vm9, v16, v17;
	v15 =	vsel vm10, v20, v15  }
0x2e: {  	v10 =	vld [tilespmem:s20+$0x10];
	vm3 =	vgt.f32 v11, v14;
	vm11 =	vgt.f32 v24, v16;
	vm12 =	vgt.f32 v19, v15  }
0x2f: {  	v20 =	vld [tilespmem:s20+$0xFFFFFFA0];
	v18 =	vsel vm3, v11, v14;
	v16 =	vsel vm11, v24, v16;
	v17 =	vsel vm12, v19, v15  }
0x30: {  	s21 =	sadd.s32 $0x100, s21;
	v11 =	vld [tilespmem:s20+$0x20];
	v14 =	vsel vm5, s19, v9;
	v15 =	vsel vm6, s19, v9;
	v24 =	vsel vm4, v25, v23  }
0x31: {  	s24 =	sadd.s32 $0xFFFFFF80, s21;
	v19 =	vld [tilespmem:s20+$0xFFFFFF90];
	v14 =	vsel vm7, s16, v14;
	v15 =	vsel vm8, s16, v15;
	vm5 =	vgt.f32 v22, v24  }
0x32: {  	p1 =	por p2, p2;
	s23 =	sor.u32 $0x50, s24;
	v23 =	vld [tilespmem:s20+$0xFFFFFFB0];
	v14 =	vsel vm9, s18, v14;
	v26 =	vsel vm10, s18, v15;
	v25 =	vsel vm5, v22, v24  }
0x33: {  	s25 =	sor.u32 $0x60, s24;
	s22 =	simm.s32 $0x4;
	v22 =	vld [tilespmem:s23+$0x0];
	s23 =	simm.s32 $0x8;
	v24 =	vimm.s32 $0x0;
	v15 =	vsel vm11, s17, v14;
	v14 =	vsel vm12, s17, v26  }
.LBB2_3:
0x34: {  	p2 =	slt.u32 s23, $0x1FC;
	v12 =	vsel vm4, s22, v12;
	s26 =	sadd.s32 $0x1, s22;
	v26 =	vld [tilespmem:s25+$0x0];
	s24 =	sor.u32 $0x70, s24;
	vm4 =	vgt.f32 v21, v25;
	v24 =	vsel vm0, s19, v24  }
0x35: {  	s19 =	smov.u32 s22;
	v12 =	vsel vm5, s26, v12;
	v27 =	vld [tilespmem:s24+$0x0];
	v21 =	vsel vm4, v21, v25;
	s24 =	sadd.s32 $0x2, s22;
	v24 =	vsel vm1, s16, v24;
	s16 =	smov.u32 s26  }
0x36: {  	s25 =	sor.u32 $0x50, s21;
	s22 =	sadd.s32 $0x3, s19;
	v12 =	vsel vm4, s24, v12;
	v25 =	vld [tilespmem:s20+$0x30];
	vm0 =	vgt.f32 v13, v21;
	v24 =	vsel vm2, s18, v24;
	s18 =	smov.u32 s24  }
0x37: {  	s24 =	sor.u32 $0x60, s21;
	v28 =	vsel vm0, v13, v21;
	v12 =	vsel vm0, s22, v12;
	v29 =	vld [tilespmem:s25+$0x0];
	v24 =	vsel vm3, s17, v24;
	s17 =	smov.u32 s22;
	s22 =	smov.u32 s23  }
0x38: {  	vm5 =	vgt.f32 v20, v16;
	vm0 =	vgt.f32 v19, v18;
	vm6 =	vgt.f32 v23, v17;
	v30 =	vld [tilespmem:s24+$0x0];
	s24 =	sor.u32 $0x70, s21  }
0x39: {  	s20 =	sadd.s32 $0x100, s20;
	v16 =	vsel vm5, v20, v16;
	v18 =	vsel vm0, v19, v18;
	v17 =	vsel vm6, v23, v17;
	v19 =	vld [tilespmem:s24+$0x0]  }
0x3a: {  	vm1 =	vgt.f32 v22, v18;
	vm7 =	vgt.f32 v26, v16;
	v13 =	vld [tilespmem:s20+$0x40];
	vm8 =	vgt.f32 v27, v17  }
0x3b: {  	v18 =	vsel vm1, v22, v18;
	v16 =	vsel vm7, v26, v16;
	v20 =	vld [tilespmem:s20+$0xFFFFFF80];
	v17 =	vsel vm8, v27, v17  }
0x3c: {  	vm2 =	vgt.f32 v10, v18;
	vm9 =	vgt.f32 v11, v16;
	v21 =	vld [tilespmem:s20+$0x0];
	vm10 =	vgt.f32 v25, v17  }
0x3d: {  	v18 =	vsel vm2, v10, v18;
	v16 =	vsel vm9, v11, v16;
	v22 =	vld [tilespmem:s20+$0xFFFFFFC0];
	v17 =	vsel vm10, v25, v17  }
0x3e: {  	vm3 =	vgt.f32 v29, v18;
	vm11 =	vgt.f32 v30, v16;
	v10 =	vld [tilespmem:s20+$0x10];
	vm12 =	vgt.f32 v19, v17  }
.Ltmp0:
0x3f: {  	v18 =	vsel vm3, v29, v18;
	v16 =	vsel vm11, v30, v16;
	v11 =	vld [tilespmem:s20+$0x20];
	v17 =	vsel vm12, v19, v17;
	(pc) =	sbr.rel @p2 .LBB2_3-.Ltmp0, $4  }
0x40: {  	v15 =	vsel vm5, s19, v15;
	v14 =	vsel vm6, s19, v14;
	s21 =	sadd.s32 $0x100, s21;
	vm4 =	vgt.f32 v20, v28;
	v19 =	vld [tilespmem:s20+$0xFFFFFF90]  }
0x41: {  	s24 =	sadd.s32 $0xFFFFFF80, s21;
	v15 =	vsel vm7, s16, v15;
	v14 =	vsel vm8, s16, v14;
	v25 =	vsel vm4, v20, v28;
	v20 =	vld [tilespmem:s20+$0xFFFFFFA0]  }
0x42: {  	s25 =	sor.u32 $0x50, s24;
	v15 =	vsel vm9, s18, v15;
	v14 =	vsel vm10, s18, v14;
	v23 =	vld [tilespmem:s20+$0xFFFFFFB0];
	vm5 =	vgt.f32 v22, v25  }
0x43: {  	s23 =	sadd.s32 $0x4, s23;
	v15 =	vsel vm11, s17, v15;
	v14 =	vsel vm12, s17, v14;
	v25 =	vsel vm5, v22, v25;
	v22 =	vld [tilespmem:s25+$0x0];
	s25 =	sor.u32 $0x60, s24  }
0x44: {  	vm6 =	vgt.f32 v21, v25  }
0x45: {  	v12 =	vsel vm4, s22, v12;
	s23 =	sadd.s32 $0x1, s22;
	v24 =	vsel vm0, s19, v24;
	v21 =	vsel vm6, v21, v25  }
0x46: {  	v26 =	vld [tilespmem:s25+$0x0];
	s24 =	sor.u32 $0x70, s24;
	s26 =	sadd.s32 $0x2, s22;
	v12 =	vsel vm5, s23, v12;
	v24 =	vsel vm1, s16, v24;
	vm14 =	vgt.f32 v19, v18  }
0x47: {  	v53 =	vld [tilespmem:s24+$0x0];
	vm13 =	vgt.f32 v13, v21;
	v12 =	vsel vm6, s26, v12;
	v24 =	vsel vm2, s18, v24  }
0x48: {  	s28 =	sadd.s32 $0x3, s22;
	vm1 =	vgt.f32 v20, v16;
	v18 =	vsel vm14, v19, v18;
	v13 =	vsel vm13, v13, v21  }
0x49: {  	v54 =	vld [tilespmem:s20+$0x30];
	v12 =	vsel vm13, s28, v12;
	v24 =	vsel vm3, s17, v24;
	vm2 =	vgt.f32 v23, v17  }
0x4a: {  	s29 =	sor.u32 $0x50, s21;
	v16 =	vsel vm1, v20, v16;
	v15 =	vsel vm1, s22, v15;
	v17 =	vsel vm2, v23, v17  }
0x4b: {  	v27 =	vld [tilespmem:s29+$0x0];
	vm15 =	vgt.f32 v22, v18;
	v58 =	vsel vm14, s22, v24;
	v14 =	vsel vm2, s22, v14  }
0x4c: {  	v12 =	vshll.u32 v12, $0x6;
	vm4 =	vgt.f32 v26, v16;
	vm12 =	vgt.f32 v53, v17  }
0x4d: {  	s30 =	sor.u32 $0x60, s21;
	v18 =	vsel vm15, v22, v18;
	v12 =	vor.u32 v0, v12;
	v17 =	vsel vm12, v53, v17  }
0x4e: {  	v55 =	vld [tilespmem:s30+$0x0];
	v16 =	vsel vm4, v26, v16;
	vm13 =	vgt.f32 v10, v18;
	vm8 =	vgt.f32 v54, v17  }
0x4f: {  	v10 =	vsel vm13, v10, v18;
	v57 =	vsel vm8, v54, v17;
	v17 =	vsel vm15, s23, v58  }
0x50: {  	v15 =	vsel vm4, s23, v15;
	vm14 =	vgt.f32 v27, v10;
	v17 =	vsel vm13, s26, v17  }
0x51: {  	vm7 =	vgt.f32 v11, v16;
	v14 =	vsel vm12, s23, v14;
	v17 =	vsel vm14, s28, v17  }
0x52: {  	s31 =	sor.u32 $0x70, s21;
	v11 =	vsel vm7, v11, v16;
	v15 =	vsel vm7, s26, v15;
	v17 =	vshll.u32 v17, $0x6  }
0x53: {  	v56 =	vld [tilespmem:s31+$0x0];
	vm9 =	vgt.f32 v55, v11;
	v10 =	vsel vm14, v27, v10;
	v17 =	vor.u32 v1, v17  }
0x54: {  	v14 =	vsel vm8, s26, v14;
	vm4 =	veq.f32 v10, v13;
	vm6 =	vlt.s32 v17, v12  }
0x55: {  	v15 =	vsel vm9, s28, v15;
	vm7 =	vgt.f32 v10, v13;
	vm0 =	vmand vm4, vm6  }
0x56: {  	v11 =	vsel vm9, v55, v11;
	v15 =	vshll.u32 v15, $0x6;
	vm0 =	vmor vm7, vm0  }
0x57: {  	v59 =	vor.u32 v2, v15;
	v10 =	vsel vm0, v10, v13;
	v12 =	vsel vm0, v17, v12  }
0x58: {  	vm15 =	vgt.f32 v56, v57;
	vm9 =	veq.f32 v11, v10;
	vm10 =	vlt.s32 v59, v12  }
0x59: {  	v14 =	vsel vm15, s28, v14;
	vm11 =	vgt.f32 v11, v10;
	vm0 =	vmand vm9, vm10  }
0x5a: {  	v60 =	vsel vm15, v56, v57;
	v14 =	vshll.u32 v14, $0x6;
	vm0 =	vmor vm11, vm0  }
0x5b: {  	v61 =	vor.u32 v3, v14;
	v10 =	vsel vm0, v11, v10;
	v11 =	vsel vm0, v59, v12  }
0x5c: {  	vm12 =	veq.f32 v60, v10;
	vm13 =	vlt.s32 v61, v11  }
0x5d: {  	vm14 =	vgt.f32 v60, v10;
	vm0 =	vmand vm12, vm13  }
0x5e: {  	vm0 =	vmor vm14, vm0  }
0x5f: {  	v10 =	vsel vm0, v60, v10;
	v11 =	vsel vm0, v61, v11  }
0x60: {  	v62 =	vperm.xlane v10, v4;
	v63 =	vperm.xlane v11, v4;
	_ =	sdelay $0x1  }
0x61: {  	vm15 =	veq.f32 v62, v10;
	vm4 =	vlt.s32 v63, v11  }
0x62: {  	vm5 =	vgt.f32 v62, v10;
	vm0 =	vmand vm15, vm4  }
0x63: {  	vm0 =	vmor vm5, vm0  }
0x64: {  	v10 =	vsel vm0, v62, v10;
	v11 =	vsel vm0, v63, v11  }
0x65: {  	v12 =	vperm.xlane v10, v5;
	v13 =	vperm.xlane v11, v5;
	_ =	sdelay $0x1  }
0x66: {  	vm6 =	veq.f32 v12, v10;
	vm7 =	vlt.s32 v13, v11  }
0x67: {  	vm8 =	vgt.f32 v12, v10;
	vm0 =	vmand vm6, vm7  }
0x68: {  	vm0 =	vmor vm8, vm0  }
0x69: {  	v10 =	vsel vm0, v12, v10;
	v11 =	vsel vm0, v13, v11  }
0x6a: {  	v12 =	vperm.xlane v10, v6;
	v13 =	vperm.xlane v11, v6;
	_ =	sdelay $0x1  }
0x6b: {  	vm9 =	veq.f32 v12, v10;
	vm10 =	vlt.s32 v13, v11  }
0x6c: {  	vm11 =	vgt.f32 v12, v10;
	vm0 =	vmand vm9, vm10  }
0x6d: {  	vm0 =	vmor vm11, vm0  }
0x6e: {  	v10 =	vsel vm0, v12, v10;
	v11 =	vsel vm0, v13, v11  }
0x6f: {  	v12 =	vperm.xlane v10, v7;
	v13 =	vperm.xlane v11, v7;
	_ =	sdelay $0x1  }
.Ltmp1:
0x70: {  	vm12 =	veq.f32 v12, v10;
	vm13 =	vlt.s32 v13, v11;
	(pc) =	sbr.rel @p1 .LBB2_2-.Ltmp1, $4  }
0x71: {  	s15 =	sor.u32 s5, s15;
	vm14 =	vgt.f32 v12, v10;
	vm0 =	vmand vm12, vm13  }
0x72: {  	v10 =	vmov s15;
	vm0 =	vmor vm14, vm0  }
0x73: {  	vm15 =	veq.s32 v10, v0;
	v11 =	vsel vm0, v13, v11  }
0x74: {  	p2 =	por $0x0, $0x0;
	s15 =	simm.s32 $0x1;
	v8 =	vsel vm15, v11, v8  }
0x75: {  	[tilespmem:$0x10000] =	vst v8  }
0x76: {  	[spmem:s6] =	stream.linear.scatter [tilespmem:s12], [sflag:$0x3], $0x10, $0x38;
	[tilespmem:$0x10210] =	vst v63  }
0x77: {  	_ =	swait.ge [sflag:s13], $0x10  }
0x78: {  	[sflag:s13] =	ssyncset.done $0x0  }
0x79: {  	[sflag:s13] =	ssyncadd.s32 $0xFFFFFFF0  }
0x7a: {  	s15 =	simm.s32 @!p0 $0x10080;
	[bflag:$0x0] =	sbarrier.arrive $0xFFFF  }
0x7b: {  	[tilespmem:s15], [sflag:$0x3] =	stream.linear.gather @!p0 [spmem:s1], $0x100, $0x38;
	[tilespmem:$0x10210] =	vst v63  }
0x7c: {  	s15 =	simm.s32 @!p0 $0x3  }
0x7d: {  	_ =	swait.ge @!p0 [sflag:s15], $0x100  }
0x7e: {  	[sflag:s15] =	ssyncset.done @!p0 $0x0  }
0x7f: {  	[sflag:s15] =	ssyncadd.s32 @!p0 $0xFFFFFF00  }
0x80: {  	v8 =	vld @!p0 [tilespmem:$0x10080]  }
0x81: {  	v9 =	vld @!p0 [tilespmem:$0x10090]  }
0x82: {  	v10 =	vld @!p0 [tilespmem:$0x100A0]  }
0x83: {  	v11 =	vld @!p0 [tilespmem:$0x100B0]  }
0x84: {  	v12 =	vld @!p0 [tilespmem:$0x100C0]  }
0x85: {  	v13 =	vld @!p0 [tilespmem:$0x100D0]  }
0x86: {  	v14 =	vld @!p0 [tilespmem:$0x100E0]  }
0x87: {  	v15 =	vld @!p0 [tilespmem:$0x100F0]  }
0x88: {  	v16 =	vld @!p0 [tilespmem:$0x10100]  }
0x89: {  	v17 =	vld @!p0 [tilespmem:$0x10110]  }
0x8a: {  	v18 =	vld @!p0 [tilespmem:$0x10120]  }
0x8b: {  	v19 =	vld @!p0 [tilespmem:$0x10130]  }
0x8c: {  	v20 =	vld @!p0 [tilespmem:$0x10140]  }
0x8d: {  	v8 =	vadd.s32 @!p0 v8, v9;
	v9 =	vld @!p0 [tilespmem:$0x10150]  }
0x8e: {  	v8 =	vadd.s32 @!p0 v10, v8;
	v10 =	vadd.s32 @!p0 v16, v17;
	v16 =	vld @!p0 [tilespmem:$0x10160]  }
0x8f: {  	v8 =	vadd.s32 @!p0 v11, v8;
	v10 =	vadd.s32 @!p0 v18, v10;
	v11 =	vld @!p0 [tilespmem:$0x10170]  }
0x90: {  	v8 =	vadd.s32 @!p0 v12, v8;
	v10 =	vadd.s32 @!p0 v19, v10  }
0x91: {  	v8 =	vadd.s32 @!p0 v13, v8;
	v10 =	vadd.s32 @!p0 v20, v10  }
0x92: {  	v8 =	vadd.s32 @!p0 v14, v8;
	v9 =	vadd.s32 @!p0 v9, v10  }
0x93: {  	s14 =	sadd.s32 $0x1, s14;
	v8 =	vadd.s32 @!p0 v15, v8;
	v9 =	vadd.s32 @!p0 v16, v9  }
0x94: {  	p1 =	sne.s32 s14, s8;
	[tilespmem:$0x10180] =	vst @!p0 v8;
	v8 =	vadd.s32 @!p0 v11, v9  }
.Ltmp2:
0x95: {  	s16 =	simm.s32 @!p0 $0x0;
	s17 =	simm.s32 @!p0 $0x10180;
	[tilespmem:$0x10190] =	vst @!p0 v8;
	(pc) =	sbr.rel @p1 .LBB2_1-.Ltmp2, $4  }
0x96: {  	[hbm4b:s7+s16] =	stream.linear.scatter @!p0 [tilespmem:s17], [sflag:$0x3], $0x80, $0x38;
	[tilespmem:$0x10210] =	vst v63  }
0x97: {  	_ =	swait.ge @!p0 [sflag:s15], $0x80  }
0x98: {  	[sflag:s15] =	ssyncset.done @!p0 $0x0  }
0x99: {  	[sflag:s15] =	ssyncadd.s32 @!p0 $0xFFFFFF80  }
0x9a: {  	_ =	sfence.sel $0x180000  }
0x9b: {  	[bflag:$0x0] =	sbarrier.arrive $0xFFFF  }
0x9c: {  	_ =	strace $0x90000047  }
0x9d: {  	s0 =	sadd.s32 @!p0 $0x100000, s0;
	[bflag:$0x2] =	sbarrier.arrive $0xFFFF  }
0x9e: {  	[sflag:s0] =	ssyncadd.tile.s32 @!p0 $0x1;
	_ =	shalt  }
.Lfunc_end2:
_tile_overlayer_lowered:
.L_overlay_start_2:
0x9f: {  	(tag) =	ssettag $0x2  }
0xa0: {  	s0 =	rddreg [dreg:$0x0];
	s2 =	stileid.u32  }
0xa1: {  	s1 =	rddreg [dreg:$0x1];
	p0 =	sne.s32 s2, $0x0  }
0xa2: {  	s3 =	rddreg [dreg:$0x2];
	[bflag:$0x3] =	sbarrier.arrive $0xFFFF;
	s2 =	simm.s32 @!p0 $0x1C03  }
0xa3: {  	[timem:s3], [sflag:s2] =	dma.local @!p0 [hbm:s0], s1  }
0xa4: {  	s0 =	simm.s32 @!p0 $0x3  }
0xa5: {  	_ =	swait.ge @!p0 [sflag:s0], s1  }
0xa6: {  	s1 =	ssub.s32 @!p0 $0x0, s1;
	[sflag:s0] =	ssyncset.done @!p0 $0x0  }
0xa7: {  	[sflag:s0] =	ssyncadd.s32 @!p0 s1  }
0xa8: {  	[bflag:$0x3] =	sbarrier.arrive $0xFFFF  }
0xa9: {  	_ =	shalt  }

</sc_bundles>
